<compile_context>
chip_gen: v7x
topology: tpu7x:2x2x1
jax: 0.10.2.dev20260603
libtpu: 0.0.44.dev20260713+nightly
codegen_flags: <defaults>
</compile_context>

<pallas_src>
import functools

import jax
import jax.numpy as jnp
from jax import lax
from jax.experimental import pallas as pl
from jax.experimental.pallas import tpu as pltpu
from jax.experimental.pallas import tpu_sc as plsc

_RADIUS_SQ = 0.2 ** 2
_K = 32
_LANES = 16
_UNROLL = 8
_PREP_UNROLL = 8


def _bf16_round(x):
    u = plsc.bitcast(x, jnp.int32)
    u = (u + 0x7FFF + ((u >> 16) & 1)) & jnp.int32(-0x10000)
    return plsc.bitcast(u, jnp.float32)


def _popcount(m):
    return plsc.all_reduce_population_count(m)[0]


def _sc_body(n_points, q_per_worker, num_cores,
             x_hbm, y_hbm, z_hbm, cent_hbm, out_hbm,
             x_v, y_v, z_v, sp_v, cent_v,
             cxb_v, cyb_v, czb_v, sc_v, ap_v, out_v):
    wid = lax.axis_index("s") * num_cores + lax.axis_index("c")
    groups_per_batch = cent_hbm.shape[1] // q_per_worker
    b = wid // groups_per_batch
    sgrp = lax.rem(wid, groups_per_batch)

    pltpu.sync_copy(x_hbm.at[b], x_v)
    pltpu.sync_copy(y_hbm.at[b], y_v)
    pltpu.sync_copy(z_hbm.at[b], z_v)
    pltpu.sync_copy(cent_hbm.at[b, pl.ds(sgrp * q_per_worker, q_per_worker)],
                    cent_v)

    lane_iota = lax.iota(jnp.int32, _LANES)
    zeros16 = jnp.zeros((_LANES,), jnp.int32)
    two = jnp.float32(2.0)
    r2 = jnp.float32(_RADIUS_SQ)

    def prep_centers(g, carry):
        sl = pl.ds(g * _LANES, _LANES)
        cidx = cent_v[sl]
        cx = plsc.load_gather(x_v, [cidx])
        cy = plsc.load_gather(y_v, [cidx])
        cz = plsc.load_gather(z_v, [cidx])
        sc_v[sl] = (cx * cx + cy * cy) + cz * cz
        cxb_v[sl] = _bf16_round(cx)
        cyb_v[sl] = _bf16_round(cy)
        czb_v[sl] = _bf16_round(cz)
        return carry

    lax.fori_loop(0, q_per_worker // _LANES, prep_centers, 0)

    def prep_points(g, carry):
        for u in range(_PREP_UNROLL):
            sl = pl.ds(g * (_PREP_UNROLL * _LANES) + u * _LANES, _LANES)
            xs, ys, zs = x_v[sl], y_v[sl], z_v[sl]
            sp_v[sl] = (xs * xs + ys * ys) + zs * zs
            x_v[sl] = _bf16_round(xs)
            y_v[sl] = _bf16_round(ys)
            z_v[sl] = _bf16_round(zs)
        return carry

    lax.fori_loop(0, n_points // (_PREP_UNROLL * _LANES), prep_points, 0)

    def do_query(q, carry):
        qsplat = jnp.full((_LANES,), q, jnp.int32)
        cxb = plsc.load_gather(cxb_v, [qsplat]) * two
        cyb = plsc.load_gather(cyb_v, [qsplat]) * two
        czb = plsc.load_gather(czb_v, [qsplat]) * two
        scq = plsc.load_gather(sc_v, [qsplat])

        def cond(state):
            i, cnt = state
            return jnp.logical_and(cnt < _K, i < n_points)

        def body(state):
            i, cnt = state
            ms = []
            for u in range(_UNROLL):
                base = i + u * _LANES
                cross2 = ((x_v[pl.ds(base, _LANES)] * cxb
                           + y_v[pl.ds(base, _LANES)] * cyb)
                          + z_v[pl.ds(base, _LANES)] * czb)
                d2 = (scq + sp_v[pl.ds(base, _LANES)]) - cross2
                ms.append(d2 <= r2)
            sums = [_popcount(m) for m in ms]
            off = cnt
            for u in range(_UNROLL):
                plsc.store_compressed(ap_v.at[pl.ds(off, _LANES)],
                                      lane_iota + (i + u * _LANES),
                                      mask=ms[u])
                off = off + sums[u]
            return i + _UNROLL * _LANES, off

        _, cnt = lax.while_loop(cond, body, (jnp.int32(0), jnp.int32(0)))

        first = plsc.load_gather(ap_v, [zeros16])
        cntv = jnp.full((_LANES,), cnt, jnp.int32)
        for h in range(_K // _LANES):
            vals = ap_v[pl.ds(h * _LANES, _LANES)]
            lane = lane_iota + h * _LANES
            out_v[pl.ds(q * _K + h * _LANES, _LANES)] = jnp.where(
                lane < cntv, vals, first)
        return carry

    lax.fori_loop(0, q_per_worker, do_query, 0)

    pltpu.sync_copy(out_v, out_hbm.at[wid])


def kernel(pos, centroids):
    B, N, _ = pos.shape
    S = centroids.shape[1]
    info = plsc.get_sparse_core_info()
    num_workers = info.num_cores * info.num_subcores
    q_per_worker = (B * S) // num_workers

    body = functools.partial(_sc_body, N, q_per_worker, info.num_cores)
    out = pl.kernel(
        body,
        out_type=jax.ShapeDtypeStruct((num_workers, q_per_worker * _K),
                                      jnp.int32),
        mesh=plsc.VectorSubcoreMesh(core_axis_name="c", subcore_axis_name="s"),
        compiler_params=pltpu.CompilerParams(needs_layout_passes=False),
        scratch_types=[
            pltpu.VMEM((N,), jnp.float32),
            pltpu.VMEM((N,), jnp.float32),
            pltpu.VMEM((N,), jnp.float32),
            pltpu.VMEM((N,), jnp.float32),
            pltpu.VMEM((q_per_worker,), jnp.int32),
            pltpu.VMEM((q_per_worker,), jnp.float32),
            pltpu.VMEM((q_per_worker,), jnp.float32),
            pltpu.VMEM((q_per_worker,), jnp.float32),
            pltpu.VMEM((q_per_worker,), jnp.float32),
            pltpu.VMEM((_K + _UNROLL * _LANES,), jnp.int32),
            pltpu.VMEM((q_per_worker * _K,), jnp.int32),
        ],
    )(pos[:, :, 0], pos[:, :, 1], pos[:, :, 2], centroids)
    return out.reshape(B, S, _K)

# --- scband reference (transcript-rebuilt; emitter-appended) ---
"""Pipeline reference for scband-fixed-radius-near-neighbors-33698313404548 (READ-ONLY COPY).

The authoritative reference and input builder live on the scoring server;
editing this copy changes nothing except your own understanding.
"""

import jax, jax.numpy as jnp
import numpy as np

RADIUS = 0.2
N_NEIGHBOR = 32


def square_distance(src, dst):
    # src: [B, S, 3], dst: [B, N, 3] -> [B, S, N]
    return (jnp.sum(src ** 2, axis=-1)[:, :, None]
            + jnp.sum(dst ** 2, axis=-1)[:, None, :]
            - 2.0 * jnp.einsum('bsd,bnd->bsn', src, dst))


def setup_inputs(seed: int = 0) -> dict:
    key = jax.random.key(seed)
    k1, k2 = jax.random.split(key)
    pos = jax.random.uniform(k1, (8, 8192, 3), dtype=jnp.float32)
    centroids = jax.random.randint(k2, (8, 512), 0, 8192, dtype=jnp.int32)
    return {"pos": pos, "centroids": centroids}


def reference(pos, centroids):
    B, N, _ = pos.shape
    S = centroids.shape[1]
    # index_points(pos, centroids)
    center_pos = jnp.take_along_axis(pos, centroids[:, :, None].astype(jnp.int32), axis=1)
    group_idx = jnp.broadcast_to(jnp.arange(N, dtype=jnp.int32)[None, None, :], (B, S, N))
    sqrdists = square_distance(center_pos, pos)
    group_idx = jnp.where(sqrdists > RADIUS ** 2, jnp.int32(N), group_idx)
    group_idx = jnp.sort(group_idx, axis=-1)[:, :, :N_NEIGHBOR]
    group_first = jnp.broadcast_to(group_idx[:, :, 0:1], (B, S, N_NEIGHBOR))
    group_idx = jnp.where(group_idx == N, group_first, group_idx)
    return group_idx

if __name__ == "__main__":
    import jax
    _d = setup_inputs()
    print(jax.jit(kernel)(*tuple(_d.values())))

</pallas_src>

<mosaic_0001>
#map = affine_map<(d0, d1) -> (0, 0)>
module attributes {stable_mosaic.version = 14 : i64} {
  func.func @_sc_body(%arg0: i32, %arg1: i32, %arg2: memref<8x8192xf32, #tpu.memory_space<hbm>>, %arg3: memref<8x8192xf32, #tpu.memory_space<hbm>>, %arg4: memref<8x8192xf32, #tpu.memory_space<hbm>>, %arg5: memref<8x512xi32, #tpu.memory_space<hbm>>, %arg6: memref<32x4096xi32, #tpu.memory_space<hbm>>, %arg7: memref<8192xf32, #tpu.memory_space<vmem>>, %arg8: memref<8192xf32, #tpu.memory_space<vmem>>, %arg9: memref<8192xf32, #tpu.memory_space<vmem>>, %arg10: memref<8192xf32, #tpu.memory_space<vmem>>, %arg11: memref<128xi32, #tpu.memory_space<vmem>>, %arg12: memref<128xf32, #tpu.memory_space<vmem>>, %arg13: memref<128xf32, #tpu.memory_space<vmem>>, %arg14: memref<128xf32, #tpu.memory_space<vmem>>, %arg15: memref<128xf32, #tpu.memory_space<vmem>>, %arg16: memref<160xi32, #tpu.memory_space<vmem>>, %arg17: memref<4096xi32, #tpu.memory_space<vmem>>) attributes {dimension_semantics = [#tpu.dimension_semantics<core_parallel>, #tpu.dimension_semantics<subcore_parallel>], iteration_bounds = array<i64: 2, 16>, scalar_prefetch = 0 : i64, scratch_operands = 11 : i64, tpu.core_type = #tpu.core_type<sc_vector_subcore>, window_params = [{transform_indices = #map}, {transform_indices = #map}, {transform_indices = #map}, {transform_indices = #map}, {transform_indices = #map}]} {
    %mul3A = arith.constant 2 : i32
    %mul3A_0 = arith.muli %arg1, %mul3A : i32
    %add3A = arith.addi %mul3A_0, %arg0 : i32
    %jit3A = arith.constant 4 : i32
    %div3A = arith.divsi %add3A, %jit3A : i32
    %sign3A = arith.constant 0 : i32
    %sign3A_1 = arith.cmpi sgt, %add3A, %sign3A : i32
    %sign3A_2 = arith.extui %sign3A_1 : i1 to i32
    %sign3A_3 = arith.constant 0 : i32
    %sign3A_4 = arith.cmpi slt, %add3A, %sign3A_3 : i32
    %sign3A_5 = arith.extui %sign3A_4 : i1 to i32
    %sign3A_6 = arith.subi %sign3A_2, %sign3A_5 : i32
    %sign3A_7 = arith.constant 0 : i32
    %sign3A_8 = arith.cmpi sgt, %jit3A, %sign3A_7 : i32
    %sign3A_9 = arith.extui %sign3A_8 : i1 to i32
    %sign3A_10 = arith.constant 0 : i32
    %sign3A_11 = arith.cmpi slt, %jit3A, %sign3A_10 : i32
    %sign3A_12 = arith.extui %sign3A_11 : i1 to i32
    %sign3A_13 = arith.subi %sign3A_9, %sign3A_12 : i32
    %ne3A = arith.cmpi ne, %sign3A_6, %sign3A_13 : i32
    %rem3A = arith.remsi %add3A, %jit3A : i32
    %ne3A_14 = arith.constant 0 : i32
    %ne3A_15 = arith.cmpi ne, %rem3A, %ne3A_14 : i32
    %and3A = arith.andi %ne3A, %ne3A_15 : i1
    %sub3A = arith.constant 1 : i32
    %sub3A_16 = arith.subi %div3A, %sub3A : i32
    %select_n3A = arith.select %and3A, %sub3A_16, %div3A : i32
    %rem3A_17 = arith.constant 4 : i32
    %rem3A_18 = arith.remsi %add3A, %rem3A_17 : i32
    "tpu.region"() ({
      %run_scoped3A = tpu.sem_alloc : memref<!tpu.dma_semaphore, #tpu.memory_space<semaphore_mem>>
      %dma_start3A = arith.constant 0 : i32
      %dma_start3A_41 = tpu.memref_slice %arg2[%select_n3A, %dma_start3A] : memref<8x8192xf32, #tpu.memory_space<hbm>> -> memref<1x8192xf32, #tpu.memory_space<hbm>>
      %dma_start3A_42 = tpu.memref_squeeze %dma_start3A_41 : memref<1x8192xf32, #tpu.memory_space<hbm>> -> memref<8192xf32, #tpu.memory_space<hbm>>
      %dma_start3A_43 = arith.constant 0 : i32
      %dma_start3A_44 = tpu.memref_slice %arg2[%select_n3A, %dma_start3A_43] : memref<8x8192xf32, #tpu.memory_space<hbm>> -> memref<1x8192xf32, #tpu.memory_space<hbm>>
      %dma_start3A_45 = tpu.memref_squeeze %dma_start3A_44 : memref<1x8192xf32, #tpu.memory_space<hbm>> -> memref<8192xf32, #tpu.memory_space<hbm>>
      tpu.enqueue_dma source(%dma_start3A_45 : memref<8192xf32, #tpu.memory_space<hbm>>) target(%arg7 : memref<8192xf32, #tpu.memory_space<vmem>>) target_semaphore(%run_scoped3A : memref<!tpu.dma_semaphore, #tpu.memory_space<semaphore_mem>>)
      %dma_wait3A = arith.constant 0 : i32
      %dma_wait3A_46 = tpu.memref_slice %arg2[%select_n3A, %dma_wait3A] : memref<8x8192xf32, #tpu.memory_space<hbm>> -> memref<1x8192xf32, #tpu.memory_space<hbm>>
      %dma_wait3A_47 = tpu.memref_squeeze %dma_wait3A_46 : memref<1x8192xf32, #tpu.memory_space<hbm>> -> memref<8192xf32, #tpu.memory_space<hbm>>
      %dma_wait3A_48 = arith.constant 0 : i32
      %dma_wait3A_49 = tpu.memref_slice %arg2[%select_n3A, %dma_wait3A_48] : memref<8x8192xf32, #tpu.memory_space<hbm>> -> memref<1x8192xf32, #tpu.memory_space<hbm>>
      %dma_wait3A_50 = tpu.memref_squeeze %dma_wait3A_49 : memref<1x8192xf32, #tpu.memory_space<hbm>> -> memref<8192xf32, #tpu.memory_space<hbm>>
      tpu.wait_dma2 semaphore(%run_scoped3A : memref<!tpu.dma_semaphore, #tpu.memory_space<semaphore_mem>>) src(%dma_wait3A_50 : memref<8192xf32, #tpu.memory_space<hbm>>) dst(%arg7 : memref<8192xf32, #tpu.memory_space<vmem>>)
      tpu.yield
    }) : () -> ()
    "tpu.region"() ({
      %run_scoped3A = tpu.sem_alloc : memref<!tpu.dma_semaphore, #tpu.memory_space<semaphore_mem>>
      %dma_start3A = arith.constant 0 : i32
      %dma_start3A_41 = tpu.memref_slice %arg3[%select_n3A, %dma_start3A] : memref<8x8192xf32, #tpu.memory_space<hbm>> -> memref<1x8192xf32, #tpu.memory_space<hbm>>
      %dma_start3A_42 = tpu.memref_squeeze %dma_start3A_41 : memref<1x8192xf32, #tpu.memory_space<hbm>> -> memref<8192xf32, #tpu.memory_space<hbm>>
      %dma_start3A_43 = arith.constant 0 : i32
      %dma_start3A_44 = tpu.memref_slice %arg3[%select_n3A, %dma_start3A_43] : memref<8x8192xf32, #tpu.memory_space<hbm>> -> memref<1x8192xf32, #tpu.memory_space<hbm>>
      %dma_start3A_45 = tpu.memref_squeeze %dma_start3A_44 : memref<1x8192xf32, #tpu.memory_space<hbm>> -> memref<8192xf32, #tpu.memory_space<hbm>>
      tpu.enqueue_dma source(%dma_start3A_45 : memref<8192xf32, #tpu.memory_space<hbm>>) target(%arg8 : memref<8192xf32, #tpu.memory_space<vmem>>) target_semaphore(%run_scoped3A : memref<!tpu.dma_semaphore, #tpu.memory_space<semaphore_mem>>)
      %dma_wait3A = arith.constant 0 : i32
      %dma_wait3A_46 = tpu.memref_slice %arg3[%select_n3A, %dma_wait3A] : memref<8x8192xf32, #tpu.memory_space<hbm>> -> memref<1x8192xf32, #tpu.memory_space<hbm>>
      %dma_wait3A_47 = tpu.memref_squeeze %dma_wait3A_46 : memref<1x8192xf32, #tpu.memory_space<hbm>> -> memref<8192xf32, #tpu.memory_space<hbm>>
      %dma_wait3A_48 = arith.constant 0 : i32
      %dma_wait3A_49 = tpu.memref_slice %arg3[%select_n3A, %dma_wait3A_48] : memref<8x8192xf32, #tpu.memory_space<hbm>> -> memref<1x8192xf32, #tpu.memory_space<hbm>>
      %dma_wait3A_50 = tpu.memref_squeeze %dma_wait3A_49 : memref<1x8192xf32, #tpu.memory_space<hbm>> -> memref<8192xf32, #tpu.memory_space<hbm>>
      tpu.wait_dma2 semaphore(%run_scoped3A : memref<!tpu.dma_semaphore, #tpu.memory_space<semaphore_mem>>) src(%dma_wait3A_50 : memref<8192xf32, #tpu.memory_space<hbm>>) dst(%arg8 : memref<8192xf32, #tpu.memory_space<vmem>>)
      tpu.yield
    }) : () -> ()
    "tpu.region"() ({
      %run_scoped3A = tpu.sem_alloc : memref<!tpu.dma_semaphore, #tpu.memory_space<semaphore_mem>>
      %dma_start3A = arith.constant 0 : i32
      %dma_start3A_41 = tpu.memref_slice %arg4[%select_n3A, %dma_start3A] : memref<8x8192xf32, #tpu.memory_space<hbm>> -> memref<1x8192xf32, #tpu.memory_space<hbm>>
      %dma_start3A_42 = tpu.memref_squeeze %dma_start3A_41 : memref<1x8192xf32, #tpu.memory_space<hbm>> -> memref<8192xf32, #tpu.memory_space<hbm>>
      %dma_start3A_43 = arith.constant 0 : i32
      %dma_start3A_44 = tpu.memref_slice %arg4[%select_n3A, %dma_start3A_43] : memref<8x8192xf32, #tpu.memory_space<hbm>> -> memref<1x8192xf32, #tpu.memory_space<hbm>>
      %dma_start3A_45 = tpu.memref_squeeze %dma_start3A_44 : memref<1x8192xf32, #tpu.memory_space<hbm>> -> memref<8192xf32, #tpu.memory_space<hbm>>
      tpu.enqueue_dma source(%dma_start3A_45 : memref<8192xf32, #tpu.memory_space<hbm>>) target(%arg9 : memref<8192xf32, #tpu.memory_space<vmem>>) target_semaphore(%run_scoped3A : memref<!tpu.dma_semaphore, #tpu.memory_space<semaphore_mem>>)
      %dma_wait3A = arith.constant 0 : i32
      %dma_wait3A_46 = tpu.memref_slice %arg4[%select_n3A, %dma_wait3A] : memref<8x8192xf32, #tpu.memory_space<hbm>> -> memref<1x8192xf32, #tpu.memory_space<hbm>>
      %dma_wait3A_47 = tpu.memref_squeeze %dma_wait3A_46 : memref<1x8192xf32, #tpu.memory_space<hbm>> -> memref<8192xf32, #tpu.memory_space<hbm>>
      %dma_wait3A_48 = arith.constant 0 : i32
      %dma_wait3A_49 = tpu.memref_slice %arg4[%select_n3A, %dma_wait3A_48] : memref<8x8192xf32, #tpu.memory_space<hbm>> -> memref<1x8192xf32, #tpu.memory_space<hbm>>
      %dma_wait3A_50 = tpu.memref_squeeze %dma_wait3A_49 : memref<1x8192xf32, #tpu.memory_space<hbm>> -> memref<8192xf32, #tpu.memory_space<hbm>>
      tpu.wait_dma2 semaphore(%run_scoped3A : memref<!tpu.dma_semaphore, #tpu.memory_space<semaphore_mem>>) src(%dma_wait3A_50 : memref<8192xf32, #tpu.memory_space<hbm>>) dst(%arg9 : memref<8192xf32, #tpu.memory_space<vmem>>)
      tpu.yield
    }) : () -> ()
    %mul3A_19 = arith.constant 128 : i32
    %mul3A_20 = arith.muli %rem3A_18, %mul3A_19 : i32
    "tpu.region"() ({
      %run_scoped3A = tpu.sem_alloc : memref<!tpu.dma_semaphore, #tpu.memory_space<semaphore_mem>>
      %dma_start3A = tpu.memref_slice %arg5[%select_n3A, %mul3A_20] : memref<8x512xi32, #tpu.memory_space<hbm>> -> memref<1x128xi32, #tpu.memory_space<hbm>>
      %dma_start3A_41 = tpu.memref_squeeze %dma_start3A : memref<1x128xi32, #tpu.memory_space<hbm>> -> memref<128xi32, #tpu.memory_space<hbm>>
      %dma_start3A_42 = tpu.memref_slice %arg5[%select_n3A, %mul3A_20] : memref<8x512xi32, #tpu.memory_space<hbm>> -> memref<1x128xi32, #tpu.memory_space<hbm>>
      %dma_start3A_43 = tpu.memref_squeeze %dma_start3A_42 : memref<1x128xi32, #tpu.memory_space<hbm>> -> memref<128xi32, #tpu.memory_space<hbm>>
      tpu.enqueue_dma source(%dma_start3A_43 : memref<128xi32, #tpu.memory_space<hbm>>) target(%arg11 : memref<128xi32, #tpu.memory_space<vmem>>) target_semaphore(%run_scoped3A : memref<!tpu.dma_semaphore, #tpu.memory_space<semaphore_mem>>)
      %dma_wait3A = tpu.memref_slice %arg5[%select_n3A, %mul3A_20] : memref<8x512xi32, #tpu.memory_space<hbm>> -> memref<1x128xi32, #tpu.memory_space<hbm>>
      %dma_wait3A_44 = tpu.memref_squeeze %dma_wait3A : memref<1x128xi32, #tpu.memory_space<hbm>> -> memref<128xi32, #tpu.memory_space<hbm>>
      %dma_wait3A_45 = tpu.memref_slice %arg5[%select_n3A, %mul3A_20] : memref<8x512xi32, #tpu.memory_space<hbm>> -> memref<1x128xi32, #tpu.memory_space<hbm>>
      %dma_wait3A_46 = tpu.memref_squeeze %dma_wait3A_45 : memref<1x128xi32, #tpu.memory_space<hbm>> -> memref<128xi32, #tpu.memory_space<hbm>>
      tpu.wait_dma2 semaphore(%run_scoped3A : memref<!tpu.dma_semaphore, #tpu.memory_space<semaphore_mem>>) src(%dma_wait3A_46 : memref<128xi32, #tpu.memory_space<hbm>>) dst(%arg11 : memref<128xi32, #tpu.memory_space<vmem>>)
      tpu.yield
    }) : () -> ()
    %iota3A = tpu.iota {dimensions = array<i32: 0>} : vector<16xi32>
    %broadcast_in_dim3A = arith.constant 0 : i32
    %broadcast_in_dim3A_21 = vector.broadcast %broadcast_in_dim3A : i32 to vector<16xi32>
    %scan3A = arith.constant 0 : i32
    %scan3A_22 = arith.constant 0 : i32
    %scan3A_23 = arith.constant 8 : i32
    %scan3A_24 = arith.addi %scan3A_22, %scan3A_23 : i32
    %scan3A_25 = arith.constant 1 : i32
    scf.for %scan3A_41 = %scan3A_22 to %scan3A_24 step %scan3A_25  : i32 {
      %mul3A_42 = arith.constant 16 : i32
      %mul3A_43 = arith.muli %scan3A_41, %mul3A_42 : i32
      %get3A = arith.index_cast %mul3A_43 : i32 to index
      %get3A_44 = tpu.vector_load %arg11[%get3A] {strides = array<i32>} : memref<128xi32, #tpu.memory_space<vmem>>, vector<16xi32>,
      %gather3A = tpu.vector_load_idx %arg7[%get3A_44] : memref<8192xf32, #tpu.memory_space<vmem>>[vector<16xi32>], vector<16xf32>,
      %gather3A_45 = tpu.vector_load_idx %arg8[%get3A_44] : memref<8192xf32, #tpu.memory_space<vmem>>[vector<16xi32>], vector<16xf32>,
      %gather3A_46 = tpu.vector_load_idx %arg9[%get3A_44] : memref<8192xf32, #tpu.memory_space<vmem>>[vector<16xi32>], vector<16xf32>,
      %mul3A_47 = arith.mulf %gather3A, %gather3A : vector<16xf32>
      %mul3A_48 = arith.mulf %gather3A_45, %gather3A_45 : vector<16xf32>
      %add3A_49 = arith.addf %mul3A_47, %mul3A_48 : vector<16xf32>
      %mul3A_50 = arith.mulf %gather3A_46, %gather3A_46 : vector<16xf32>
      %add3A_51 = arith.addf %add3A_49, %mul3A_50 : vector<16xf32>
      %swap3A = arith.index_cast %mul3A_43 : i32 to index
      %swap3A_52 = tpu.vector_load %arg15[%swap3A] {strides = array<i32>} : memref<128xf32, #tpu.memory_space<vmem>>, vector<16xf32>,
      tpu.vector_store %arg15[%swap3A], %add3A_51 {strides = array<i32>} : memref<128xf32, #tpu.memory_space<vmem>>, vector<16xf32>,
      %bitcast3A = vector.bitcast %gather3A : vector<16xf32> to vector<16xi32>
      %add3A_53 = arith.constant 32767 : i32
      %add3A_54 = vector.broadcast %add3A_53 : i32 to vector<16xi32>
      %add3A_55 = arith.addi %bitcast3A, %add3A_54 : vector<16xi32>
      %shift_right_arithmetic3A = arith.constant 16 : i32
      %shift_right_arithmetic3A_56 = vector.broadcast %shift_right_arithmetic3A : i32 to vector<16xi32>
      %shift_right_arithmetic3A_57 = arith.shrsi %bitcast3A, %shift_right_arithmetic3A_56 : vector<16xi32>
      %and3A_58 = arith.constant 1 : i32
      %and3A_59 = vector.broadcast %and3A_58 : i32 to vector<16xi32>
      %and3A_60 = arith.andi %shift_right_arithmetic3A_57, %and3A_59 : vector<16xi32>
      %add3A_61 = arith.addi %add3A_55, %and3A_60 : vector<16xi32>
      %and3A_62 = arith.constant -65536 : i32
      %and3A_63 = vector.broadcast %and3A_62 : i32 to vector<16xi32>
      %and3A_64 = arith.andi %add3A_61, %and3A_63 : vector<16xi32>
      %bitcast3A_65 = vector.bitcast %and3A_64 : vector<16xi32> to vector<16xf32>
      %swap3A_66 = arith.index_cast %mul3A_43 : i32 to index
      %swap3A_67 = tpu.vector_load %arg12[%swap3A_66] {strides = array<i32>} : memref<128xf32, #tpu.memory_space<vmem>>, vector<16xf32>,
      tpu.vector_store %arg12[%swap3A_66], %bitcast3A_65 {strides = array<i32>} : memref<128xf32, #tpu.memory_space<vmem>>, vector<16xf32>,
      %bitcast3A_68 = vector.bitcast %gather3A_45 : vector<16xf32> to vector<16xi32>
      %add3A_69 = arith.constant 32767 : i32
      %add3A_70 = vector.broadcast %add3A_69 : i32 to vector<16xi32>
      %add3A_71 = arith.addi %bitcast3A_68, %add3A_70 : vector<16xi32>
      %shift_right_arithmetic3A_72 = arith.constant 16 : i32
      %shift_right_arithmetic3A_73 = vector.broadcast %shift_right_arithmetic3A_72 : i32 to vector<16xi32>
      %shift_right_arithmetic3A_74 = arith.shrsi %bitcast3A_68, %shift_right_arithmetic3A_73 : vector<16xi32>
      %and3A_75 = arith.constant 1 : i32
      %and3A_76 = vector.broadcast %and3A_75 : i32 to vector<16xi32>
      %and3A_77 = arith.andi %shift_right_arithmetic3A_74, %and3A_76 : vector<16xi32>
      %add3A_78 = arith.addi %add3A_71, %and3A_77 : vector<16xi32>
      %and3A_79 = arith.constant -65536 : i32
      %and3A_80 = vector.broadcast %and3A_79 : i32 to vector<16xi32>
      %and3A_81 = arith.andi %add3A_78, %and3A_80 : vector<16xi32>
      %bitcast3A_82 = vector.bitcast %and3A_81 : vector<16xi32> to vector<16xf32>
      %swap3A_83 = arith.index_cast %mul3A_43 : i32 to index
      %swap3A_84 = tpu.vector_load %arg13[%swap3A_83] {strides = array<i32>} : memref<128xf32, #tpu.memory_space<vmem>>, vector<16xf32>,
      tpu.vector_store %arg13[%swap3A_83], %bitcast3A_82 {strides = array<i32>} : memref<128xf32, #tpu.memory_space<vmem>>, vector<16xf32>,
      %bitcast3A_85 = vector.bitcast %gather3A_46 : vector<16xf32> to vector<16xi32>
      %add3A_86 = arith.constant 32767 : i32
      %add3A_87 = vector.broadcast %add3A_86 : i32 to vector<16xi32>
      %add3A_88 = arith.addi %bitcast3A_85, %add3A_87 : vector<16xi32>
      %shift_right_arithmetic3A_89 = arith.constant 16 : i32
      %shift_right_arithmetic3A_90 = vector.broadcast %shift_right_arithmetic3A_89 : i32 to vector<16xi32>
      %shift_right_arithmetic3A_91 = arith.shrsi %bitcast3A_85, %shift_right_arithmetic3A_90 : vector<16xi32>
      %and3A_92 = arith.constant 1 : i32
      %and3A_93 = vector.broadcast %and3A_92 : i32 to vector<16xi32>
      %and3A_94 = arith.andi %shift_right_arithmetic3A_91, %and3A_93 : vector<16xi32>
      %add3A_95 = arith.addi %add3A_88, %and3A_94 : vector<16xi32>
      %and3A_96 = arith.constant -65536 : i32
      %and3A_97 = vector.broadcast %and3A_96 : i32 to vector<16xi32>
      %and3A_98 = arith.andi %add3A_95, %and3A_97 : vector<16xi32>
      %bitcast3A_99 = vector.bitcast %and3A_98 : vector<16xi32> to vector<16xf32>
      %swap3A_100 = arith.index_cast %mul3A_43 : i32 to index
      %swap3A_101 = tpu.vector_load %arg14[%swap3A_100] {strides = array<i32>} : memref<128xf32, #tpu.memory_space<vmem>>, vector<16xf32>,
      tpu.vector_store %arg14[%swap3A_100], %bitcast3A_99 {strides = array<i32>} : memref<128xf32, #tpu.memory_space<vmem>>, vector<16xf32>,
    }
    %scan3A_26 = arith.constant 8 : i32
    %scan3A_27 = arith.constant 0 : i32
    %scan3A_28 = arith.constant 0 : i32
    %scan3A_29 = arith.constant 64 : i32
    %scan3A_30 = arith.addi %scan3A_28, %scan3A_29 : i32
    %scan3A_31 = arith.constant 1 : i32
    scf.for %scan3A_41 = %scan3A_28 to %scan3A_30 step %scan3A_31  : i32 {
      %mul3A_42 = arith.constant 128 : i32
      %mul3A_43 = arith.muli %scan3A_41, %mul3A_42 : i32
      %add3A_44 = arith.constant 0 : i32
      %add3A_45 = arith.addi %mul3A_43, %add3A_44 : i32
      %get3A = arith.index_cast %add3A_45 : i32 to index
      %get3A_46 = tpu.vector_load %arg7[%get3A] {strides = array<i32>} : memref<8192xf32, #tpu.memory_space<vmem>>, vector<16xf32>,
      %get3A_47 = arith.index_cast %add3A_45 : i32 to index
      %get3A_48 = tpu.vector_load %arg8[%get3A_47] {strides = array<i32>} : memref<8192xf32, #tpu.memory_space<vmem>>, vector<16xf32>,
      %get3A_49 = arith.index_cast %add3A_45 : i32 to index
      %get3A_50 = tpu.vector_load %arg9[%get3A_49] {strides = array<i32>} : memref<8192xf32, #tpu.memory_space<vmem>>, vector<16xf32>,
      %mul3A_51 = arith.mulf %get3A_46, %get3A_46 : vector<16xf32>
      %mul3A_52 = arith.mulf %get3A_48, %get3A_48 : vector<16xf32>
      %add3A_53 = arith.addf %mul3A_51, %mul3A_52 : vector<16xf32>
      %mul3A_54 = arith.mulf %get3A_50, %get3A_50 : vector<16xf32>
      %add3A_55 = arith.addf %add3A_53, %mul3A_54 : vector<16xf32>
      %swap3A = arith.index_cast %add3A_45 : i32 to index
      %swap3A_56 = tpu.vector_load %arg10[%swap3A] {strides = array<i32>} : memref<8192xf32, #tpu.memory_space<vmem>>, vector<16xf32>,
      tpu.vector_store %arg10[%swap3A], %add3A_55 {strides = array<i32>} : memref<8192xf32, #tpu.memory_space<vmem>>, vector<16xf32>,
      %bitcast3A = vector.bitcast %get3A_46 : vector<16xf32> to vector<16xi32>
      %add3A_57 = arith.constant 32767 : i32
      %add3A_58 = vector.broadcast %add3A_57 : i32 to vector<16xi32>
      %add3A_59 = arith.addi %bitcast3A, %add3A_58 : vector<16xi32>
      %shift_right_arithmetic3A = arith.constant 16 : i32
      %shift_right_arithmetic3A_60 = vector.broadcast %shift_right_arithmetic3A : i32 to vector<16xi32>
      %shift_right_arithmetic3A_61 = arith.shrsi %bitcast3A, %shift_right_arithmetic3A_60 : vector<16xi32>
      %and3A_62 = arith.constant 1 : i32
      %and3A_63 = vector.broadcast %and3A_62 : i32 to vector<16xi32>
      %and3A_64 = arith.andi %shift_right_arithmetic3A_61, %and3A_63 : vector<16xi32>
      %add3A_65 = arith.addi %add3A_59, %and3A_64 : vector<16xi32>
      %and3A_66 = arith.constant -65536 : i32
      %and3A_67 = vector.broadcast %and3A_66 : i32 to vector<16xi32>
      %and3A_68 = arith.andi %add3A_65, %and3A_67 : vector<16xi32>
      %bitcast3A_69 = vector.bitcast %and3A_68 : vector<16xi32> to vector<16xf32>
      %swap3A_70 = arith.index_cast %add3A_45 : i32 to index
      %swap3A_71 = tpu.vector_load %arg7[%swap3A_70] {strides = array<i32>} : memref<8192xf32, #tpu.memory_space<vmem>>, vector<16xf32>,
      tpu.vector_store %arg7[%swap3A_70], %bitcast3A_69 {strides = array<i32>} : memref<8192xf32, #tpu.memory_space<vmem>>, vector<16xf32>,
      %bitcast3A_72 = vector.bitcast %get3A_48 : vector<16xf32> to vector<16xi32>
      %add3A_73 = arith.constant 32767 : i32
      %add3A_74 = vector.broadcast %add3A_73 : i32 to vector<16xi32>
      %add3A_75 = arith.addi %bitcast3A_72, %add3A_74 : vector<16xi32>
      %shift_right_arithmetic3A_76 = arith.constant 16 : i32
      %shift_right_arithmetic3A_77 = vector.broadcast %shift_right_arithmetic3A_76 : i32 to vector<16xi32>
      %shift_right_arithmetic3A_78 = arith.shrsi %bitcast3A_72, %shift_right_arithmetic3A_77 : vector<16xi32>
      %and3A_79 = arith.constant 1 : i32
      %and3A_80 = vector.broadcast %and3A_79 : i32 to vector<16xi32>
      %and3A_81 = arith.andi %shift_right_arithmetic3A_78, %and3A_80 : vector<16xi32>
      %add3A_82 = arith.addi %add3A_75, %and3A_81 : vector<16xi32>
      %and3A_83 = arith.constant -65536 : i32
      %and3A_84 = vector.broadcast %and3A_83 : i32 to vector<16xi32>
      %and3A_85 = arith.andi %add3A_82, %and3A_84 : vector<16xi32>
      %bitcast3A_86 = vector.bitcast %and3A_85 : vector<16xi32> to vector<16xf32>
      %swap3A_87 = arith.index_cast %add3A_45 : i32 to index
      %swap3A_88 = tpu.vector_load %arg8[%swap3A_87] {strides = array<i32>} : memref<8192xf32, #tpu.memory_space<vmem>>, vector<16xf32>,
      tpu.vector_store %arg8[%swap3A_87], %bitcast3A_86 {strides = array<i32>} : memref<8192xf32, #tpu.memory_space<vmem>>, vector<16xf32>,
      %bitcast3A_89 = vector.bitcast %get3A_50 : vector<16xf32> to vector<16xi32>
      %add3A_90 = arith.constant 32767 : i32
      %add3A_91 = vector.broadcast %add3A_90 : i32 to vector<16xi32>
      %add3A_92 = arith.addi %bitcast3A_89, %add3A_91 : vector<16xi32>
      %shift_right_arithmetic3A_93 = arith.constant 16 : i32
      %shift_right_arithmetic3A_94 = vector.broadcast %shift_right_arithmetic3A_93 : i32 to vector<16xi32>
      %shift_right_arithmetic3A_95 = arith.shrsi %bitcast3A_89, %shift_right_arithmetic3A_94 : vector<16xi32>
      %and3A_96 = arith.constant 1 : i32
      %and3A_97 = vector.broadcast %and3A_96 : i32 to vector<16xi32>
      %and3A_98 = arith.andi %shift_right_arithmetic3A_95, %and3A_97 : vector<16xi32>
      %add3A_99 = arith.addi %add3A_92, %and3A_98 : vector<16xi32>
      %and3A_100 = arith.constant -65536 : i32
      %and3A_101 = vector.broadcast %and3A_100 : i32 to vector<16xi32>
      %and3A_102 = arith.andi %add3A_99, %and3A_101 : vector<16xi32>
      %bitcast3A_103 = vector.bitcast %and3A_102 : vector<16xi32> to vector<16xf32>
      %swap3A_104 = arith.index_cast %add3A_45 : i32 to index
      %swap3A_105 = tpu.vector_load %arg9[%swap3A_104] {strides = array<i32>} : memref<8192xf32, #tpu.memory_space<vmem>>, vector<16xf32>,
      tpu.vector_store %arg9[%swap3A_104], %bitcast3A_103 {strides = array<i32>} : memref<8192xf32, #tpu.memory_space<vmem>>, vector<16xf32>,
      %mul3A_106 = arith.constant 128 : i32
      %mul3A_107 = arith.muli %scan3A_41, %mul3A_106 : i32
      %add3A_108 = arith.constant 16 : i32
      %add3A_109 = arith.addi %mul3A_107, %add3A_108 : i32
      %get3A_110 = arith.index_cast %add3A_109 : i32 to index
      %get3A_111 = tpu.vector_load %arg7[%get3A_110] {strides = array<i32>} : memref<8192xf32, #tpu.memory_space<vmem>>, vector<16xf32>,
      %get3A_112 = arith.index_cast %add3A_109 : i32 to index
      %get3A_113 = tpu.vector_load %arg8[%get3A_112] {strides = array<i32>} : memref<8192xf32, #tpu.memory_space<vmem>>, vector<16xf32>,
      %get3A_114 = arith.index_cast %add3A_109 : i32 to index
      %get3A_115 = tpu.vector_load %arg9[%get3A_114] {strides = array<i32>} : memref<8192xf32, #tpu.memory_space<vmem>>, vector<16xf32>,
      %mul3A_116 = arith.mulf %get3A_111, %get3A_111 : vector<16xf32>
      %mul3A_117 = arith.mulf %get3A_113, %get3A_113 : vector<16xf32>
      %add3A_118 = arith.addf %mul3A_116, %mul3A_117 : vector<16xf32>
      %mul3A_119 = arith.mulf %get3A_115, %get3A_115 : vector<16xf32>
      %add3A_120 = arith.addf %add3A_118, %mul3A_119 : vector<16xf32>
      %swap3A_121 = arith.index_cast %add3A_109 : i32 to index
      %swap3A_122 = tpu.vector_load %arg10[%swap3A_121] {strides = array<i32>} : memref<8192xf32, #tpu.memory_space<vmem>>, vector<16xf32>,
      tpu.vector_store %arg10[%swap3A_121], %add3A_120 {strides = array<i32>} : memref<8192xf32, #tpu.memory_space<vmem>>, vector<16xf32>,
      %bitcast3A_123 = vector.bitcast %get3A_111 : vector<16xf32> to vector<16xi32>
      %add3A_124 = arith.constant 32767 : i32
      %add3A_125 = vector.broadcast %add3A_124 : i32 to vector<16xi32>
      %add3A_126 = arith.addi %bitcast3A_123, %add3A_125 : vector<16xi32>
      %shift_right_arithmetic3A_127 = arith.constant 16 : i32
      %shift_right_arithmetic3A_128 = vector.broadcast %shift_right_arithmetic3A_127 : i32 to vector<16xi32>
      %shift_right_arithmetic3A_129 = arith.shrsi %bitcast3A_123, %shift_right_arithmetic3A_128 : vector<16xi32>
      %and3A_130 = arith.constant 1 : i32
      %and3A_131 = vector.broadcast %and3A_130 : i32 to vector<16xi32>
      %and3A_132 = arith.andi %shift_right_arithmetic3A_129, %and3A_131 : vector<16xi32>
      %add3A_133 = arith.addi %add3A_126, %and3A_132 : vector<16xi32>
      %and3A_134 = arith.constant -65536 : i32
      %and3A_135 = vector.broadcast %and3A_134 : i32 to vector<16xi32>
      %and3A_136 = arith.andi %add3A_133, %and3A_135 : vector<16xi32>
      %bitcast3A_137 = vector.bitcast %and3A_136 : vector<16xi32> to vector<16xf32>
      %swap3A_138 = arith.index_cast %add3A_109 : i32 to index
      %swap3A_139 = tpu.vector_load %arg7[%swap3A_138] {strides = array<i32>} : memref<8192xf32, #tpu.memory_space<vmem>>, vector<16xf32>,
      tpu.vector_store %arg7[%swap3A_138], %bitcast3A_137 {strides = array<i32>} : memref<8192xf32, #tpu.memory_space<vmem>>, vector<16xf32>,
      %bitcast3A_140 = vector.bitcast %get3A_113 : vector<16xf32> to vector<16xi32>
      %add3A_141 = arith.constant 32767 : i32
      %add3A_142 = vector.broadcast %add3A_141 : i32 to vector<16xi32>
      %add3A_143 = arith.addi %bitcast3A_140, %add3A_142 : vector<16xi32>
      %shift_right_arithmetic3A_144 = arith.constant 16 : i32
      %shift_right_arithmetic3A_145 = vector.broadcast %shift_right_arithmetic3A_144 : i32 to vector<16xi32>
      %shift_right_arithmetic3A_146 = arith.shrsi %bitcast3A_140, %shift_right_arithmetic3A_145 : vector<16xi32>
      %and3A_147 = arith.constant 1 : i32
      %and3A_148 = vector.broadcast %and3A_147 : i32 to vector<16xi32>
      %and3A_149 = arith.andi %shift_right_arithmetic3A_146, %and3A_148 : vector<16xi32>
      %add3A_150 = arith.addi %add3A_143, %and3A_149 : vector<16xi32>
      %and3A_151 = arith.constant -65536 : i32
      %and3A_152 = vector.broadcast %and3A_151 : i32 to vector<16xi32>
      %and3A_153 = arith.andi %add3A_150, %and3A_152 : vector<16xi32>
      %bitcast3A_154 = vector.bitcast %and3A_153 : vector<16xi32> to vector<16xf32>
      %swap3A_155 = arith.index_cast %add3A_109 : i32 to index
      %swap3A_156 = tpu.vector_load %arg8[%swap3A_155] {strides = array<i32>} : memref<8192xf32, #tpu.memory_space<vmem>>, vector<16xf32>,
      tpu.vector_store %arg8[%swap3A_155], %bitcast3A_154 {strides = array<i32>} : memref<8192xf32, #tpu.memory_space<vmem>>, vector<16xf32>,
      %bitcast3A_157 = vector.bitcast %get3A_115 : vector<16xf32> to vector<16xi32>
      %add3A_158 = arith.constant 32767 : i32
      %add3A_159 = vector.broadcast %add3A_158 : i32 to vector<16xi32>
      %add3A_160 = arith.addi %bitcast3A_157, %add3A_159 : vector<16xi32>
      %shift_right_arithmetic3A_161 = arith.constant 16 : i32
      %shift_right_arithmetic3A_162 = vector.broadcast %shift_right_arithmetic3A_161 : i32 to vector<16xi32>
      %shift_right_arithmetic3A_163 = arith.shrsi %bitcast3A_157, %shift_right_arithmetic3A_162 : vector<16xi32>
      %and3A_164 = arith.constant 1 : i32
      %and3A_165 = vector.broadcast %and3A_164 : i32 to vector<16xi32>
      %and3A_166 = arith.andi %shift_right_arithmetic3A_163, %and3A_165 : vector<16xi32>
      %add3A_167 = arith.addi %add3A_160, %and3A_166 : vector<16xi32>
      %and3A_168 = arith.constant -65536 : i32
      %and3A_169 = vector.broadcast %and3A_168 : i32 to vector<16xi32>
      %and3A_170 = arith.andi %add3A_167, %and3A_169 : vector<16xi32>
      %bitcast3A_171 = vector.bitcast %and3A_170 : vector<16xi32> to vector<16xf32>
      %swap3A_172 = arith.index_cast %add3A_109 : i32 to index
      %swap3A_173 = tpu.vector_load %arg9[%swap3A_172] {strides = array<i32>} : memref<8192xf32, #tpu.memory_space<vmem>>, vector<16xf32>,
      tpu.vector_store %arg9[%swap3A_172], %bitcast3A_171 {strides = array<i32>} : memref<8192xf32, #tpu.memory_space<vmem>>, vector<16xf32>,
      %mul3A_174 = arith.constant 128 : i32
      %mul3A_175 = arith.muli %scan3A_41, %mul3A_174 : i32
      %add3A_176 = arith.constant 32 : i32
      %add3A_177 = arith.addi %mul3A_175, %add3A_176 : i32
      %get3A_178 = arith.index_cast %add3A_177 : i32 to index
      %get3A_179 = tpu.vector_load %arg7[%get3A_178] {strides = array<i32>} : memref<8192xf32, #tpu.memory_space<vmem>>, vector<16xf32>,
      %get3A_180 = arith.index_cast %add3A_177 : i32 to index
      %get3A_181 = tpu.vector_load %arg8[%get3A_180] {strides = array<i32>} : memref<8192xf32, #tpu.memory_space<vmem>>, vector<16xf32>,
      %get3A_182 = arith.index_cast %add3A_177 : i32 to index
      %get3A_183 = tpu.vector_load %arg9[%get3A_182] {strides = array<i32>} : memref<8192xf32, #tpu.memory_space<vmem>>, vector<16xf32>,
      %mul3A_184 = arith.mulf %get3A_179, %get3A_179 : vector<16xf32>
      %mul3A_185 = arith.mulf %get3A_181, %get3A_181 : vector<16xf32>
      %add3A_186 = arith.addf %mul3A_184, %mul3A_185 : vector<16xf32>
      %mul3A_187 = arith.mulf %get3A_183, %get3A_183 : vector<16xf32>
      %add3A_188 = arith.addf %add3A_186, %mul3A_187 : vector<16xf32>
      %swap3A_189 = arith.index_cast %add3A_177 : i32 to index
      %swap3A_190 = tpu.vector_load %arg10[%swap3A_189] {strides = array<i32>} : memref<8192xf32, #tpu.memory_space<vmem>>, vector<16xf32>,
      tpu.vector_store %arg10[%swap3A_189], %add3A_188 {strides = array<i32>} : memref<8192xf32, #tpu.memory_space<vmem>>, vector<16xf32>,
      %bitcast3A_191 = vector.bitcast %get3A_179 : vector<16xf32> to vector<16xi32>
      %add3A_192 = arith.constant 32767 : i32
      %add3A_193 = vector.broadcast %add3A_192 : i32 to vector<16xi32>
      %add3A_194 = arith.addi %bitcast3A_191, %add3A_193 : vector<16xi32>
      %shift_right_arithmetic3A_195 = arith.constant 16 : i32
      %shift_right_arithmetic3A_196 = vector.broadcast %shift_right_arithmetic3A_195 : i32 to vector<16xi32>
      %shift_right_arithmetic3A_197 = arith.shrsi %bitcast3A_191, %shift_right_arithmetic3A_196 : vector<16xi32>
      %and3A_198 = arith.constant 1 : i32
      %and3A_199 = vector.broadcast %and3A_198 : i32 to vector<16xi32>
      %and3A_200 = arith.andi %shift_right_arithmetic3A_197, %and3A_199 : vector<16xi32>
      %add3A_201 = arith.addi %add3A_194, %and3A_200 : vector<16xi32>
      %and3A_202 = arith.constant -65536 : i32
      %and3A_203 = vector.broadcast %and3A_202 : i32 to vector<16xi32>
      %and3A_204 = arith.andi %add3A_201, %and3A_203 : vector<16xi32>
      %bitcast3A_205 = vector.bitcast %and3A_204 : vector<16xi32> to vector<16xf32>
      %swap3A_206 = arith.index_cast %add3A_177 : i32 to index
      %swap3A_207 = tpu.vector_load %arg7[%swap3A_206] {strides = array<i32>} : memref<8192xf32, #tpu.memory_space<vmem>>, vector<16xf32>,
      tpu.vector_store %arg7[%swap3A_206], %bitcast3A_205 {strides = array<i32>} : memref<8192xf32, #tpu.memory_space<vmem>>, vector<16xf32>,
      %bitcast3A_208 = vector.bitcast %get3A_181 : vector<16xf32> to vector<16xi32>
      %add3A_209 = arith.constant 32767 : i32
      %add3A_210 = vector.broadcast %add3A_209 : i32 to vector<16xi32>
      %add3A_211 = arith.addi %bitcast3A_208, %add3A_210 : vector<16xi32>
      %shift_right_arithmetic3A_212 = arith.constant 16 : i32
      %shift_right_arithmetic3A_213 = vector.broadcast %shift_right_arithmetic3A_212 : i32 to vector<16xi32>
      %shift_right_arithmetic3A_214 = arith.shrsi %bitcast3A_208, %shift_right_arithmetic3A_213 : vector<16xi32>
      %and3A_215 = arith.constant 1 : i32
      %and3A_216 = vector.broadcast %and3A_215 : i32 to vector<16xi32>
      %and3A_217 = arith.andi %shift_right_arithmetic3A_214, %and3A_216 : vector<16xi32>
      %add3A_218 = arith.addi %add3A_211, %and3A_217 : vector<16xi32>
      %and3A_219 = arith.constant -65536 : i32
      %and3A_220 = vector.broadcast %and3A_219 : i32 to vector<16xi32>
      %and3A_221 = arith.andi %add3A_218, %and3A_220 : vector<16xi32>
      %bitcast3A_222 = vector.bitcast %and3A_221 : vector<16xi32> to vector<16xf32>
      %swap3A_223 = arith.index_cast %add3A_177 : i32 to index
      %swap3A_224 = tpu.vector_load %arg8[%swap3A_223] {strides = array<i32>} : memref<8192xf32, #tpu.memory_space<vmem>>, vector<16xf32>,
      tpu.vector_store %arg8[%swap3A_223], %bitcast3A_222 {strides = array<i32>} : memref<8192xf32, #tpu.memory_space<vmem>>, vector<16xf32>,
      %bitcast3A_225 = vector.bitcast %get3A_183 : vector<16xf32> to vector<16xi32>
      %add3A_226 = arith.constant 32767 : i32
      %add3A_227 = vector.broadcast %add3A_226 : i32 to vector<16xi32>
      %add3A_228 = arith.addi %bitcast3A_225, %add3A_227 : vector<16xi32>
      %shift_right_arithmetic3A_229 = arith.constant 16 : i32
      %shift_right_arithmetic3A_230 = vector.broadcast %shift_right_arithmetic3A_229 : i32 to vector<16xi32>
      %shift_right_arithmetic3A_231 = arith.shrsi %bitcast3A_225, %shift_right_arithmetic3A_230 : vector<16xi32>
      %and3A_232 = arith.constant 1 : i32
      %and3A_233 = vector.broadcast %and3A_232 : i32 to vector<16xi32>
      %and3A_234 = arith.andi %shift_right_arithmetic3A_231, %and3A_233 : vector<16xi32>
      %add3A_235 = arith.addi %add3A_228, %and3A_234 : vector<16xi32>
      %and3A_236 = arith.constant -65536 : i32
      %and3A_237 = vector.broadcast %and3A_236 : i32 to vector<16xi32>
      %and3A_238 = arith.andi %add3A_235, %and3A_237 : vector<16xi32>
      %bitcast3A_239 = vector.bitcast %and3A_238 : vector<16xi32> to vector<16xf32>
      %swap3A_240 = arith.index_cast %add3A_177 : i32 to index
      %swap3A_241 = tpu.vector_load %arg9[%swap3A_240] {strides = array<i32>} : memref<8192xf32, #tpu.memory_space<vmem>>, vector<16xf32>,
      tpu.vector_store %arg9[%swap3A_240], %bitcast3A_239 {strides = array<i32>} : memref<8192xf32, #tpu.memory_space<vmem>>, vector<16xf32>,
      %mul3A_242 = arith.constant 128 : i32
      %mul3A_243 = arith.muli %scan3A_41, %mul3A_242 : i32
      %add3A_244 = arith.constant 48 : i32
      %add3A_245 = arith.addi %mul3A_243, %add3A_244 : i32
      %get3A_246 = arith.index_cast %add3A_245 : i32 to index
      %get3A_247 = tpu.vector_load %arg7[%get3A_246] {strides = array<i32>} : memref<8192xf32, #tpu.memory_space<vmem>>, vector<16xf32>,
      %get3A_248 = arith.index_cast %add3A_245 : i32 to index
      %get3A_249 = tpu.vector_load %arg8[%get3A_248] {strides = array<i32>} : memref<8192xf32, #tpu.memory_space<vmem>>, vector<16xf32>,
      %get3A_250 = arith.index_cast %add3A_245 : i32 to index
      %get3A_251 = tpu.vector_load %arg9[%get3A_250] {strides = array<i32>} : memref<8192xf32, #tpu.memory_space<vmem>>, vector<16xf32>,
      %mul3A_252 = arith.mulf %get3A_247, %get3A_247 : vector<16xf32>
      %mul3A_253 = arith.mulf %get3A_249, %get3A_249 : vector<16xf32>
      %add3A_254 = arith.addf %mul3A_252, %mul3A_253 : vector<16xf32>
      %mul3A_255 = arith.mulf %get3A_251, %get3A_251 : vector<16xf32>
      %add3A_256 = arith.addf %add3A_254, %mul3A_255 : vector<16xf32>
      %swap3A_257 = arith.index_cast %add3A_245 : i32 to index
      %swap3A_258 = tpu.vector_load %arg10[%swap3A_257] {strides = array<i32>} : memref<8192xf32, #tpu.memory_space<vmem>>, vector<16xf32>,
      tpu.vector_store %arg10[%swap3A_257], %add3A_256 {strides = array<i32>} : memref<8192xf32, #tpu.memory_space<vmem>>, vector<16xf32>,
      %bitcast3A_259 = vector.bitcast %get3A_247 : vector<16xf32> to vector<16xi32>
      %add3A_260 = arith.constant 32767 : i32
      %add3A_261 = vector.broadcast %add3A_260 : i32 to vector<16xi32>
      %add3A_262 = arith.addi %bitcast3A_259, %add3A_261 : vector<16xi32>
      %shift_right_arithmetic3A_263 = arith.constant 16 : i32
      %shift_right_arithmetic3A_264 = vector.broadcast %shift_right_arithmetic3A_263 : i32 to vector<16xi32>
      %shift_right_arithmetic3A_265 = arith.shrsi %bitcast3A_259, %shift_right_arithmetic3A_264 : vector<16xi32>
      %and3A_266 = arith.constant 1 : i32
      %and3A_267 = vector.broadcast %and3A_266 : i32 to vector<16xi32>
      %and3A_268 = arith.andi %shift_right_arithmetic3A_265, %and3A_267 : vector<16xi32>
      %add3A_269 = arith.addi %add3A_262, %and3A_268 : vector<16xi32>
      %and3A_270 = arith.constant -65536 : i32
      %and3A_271 = vector.broadcast %and3A_270 : i32 to vector<16xi32>
      %and3A_272 = arith.andi %add3A_269, %and3A_271 : vector<16xi32>
      %bitcast3A_273 = vector.bitcast %and3A_272 : vector<16xi32> to vector<16xf32>
      %swap3A_274 = arith.index_cast %add3A_245 : i32 to index
      %swap3A_275 = tpu.vector_load %arg7[%swap3A_274] {strides = array<i32>} : memref<8192xf32, #tpu.memory_space<vmem>>, vector<16xf32>,
      tpu.vector_store %arg7[%swap3A_274], %bitcast3A_273 {strides = array<i32>} : memref<8192xf32, #tpu.memory_space<vmem>>, vector<16xf32>,
      %bitcast3A_276 = vector.bitcast %get3A_249 : vector<16xf32> to vector<16xi32>
      %add3A_277 = arith.constant 32767 : i32
      %add3A_278 = vector.broadcast %add3A_277 : i32 to vector<16xi32>
      %add3A_279 = arith.addi %bitcast3A_276, %add3A_278 : vector<16xi32>
      %shift_right_arithmetic3A_280 = arith.constant 16 : i32
      %shift_right_arithmetic3A_281 = vector.broadcast %shift_right_arithmetic3A_280 : i32 to vector<16xi32>
      %shift_right_arithmetic3A_282 = arith.shrsi %bitcast3A_276, %shift_right_arithmetic3A_281 : vector<16xi32>
      %and3A_283 = arith.constant 1 : i32
      %and3A_284 = vector.broadcast %and3A_283 : i32 to vector<16xi32>
      %and3A_285 = arith.andi %shift_right_arithmetic3A_282, %and3A_284 : vector<16xi32>
      %add3A_286 = arith.addi %add3A_279, %and3A_285 : vector<16xi32>
      %and3A_287 = arith.constant -65536 : i32
      %and3A_288 = vector.broadcast %and3A_287 : i32 to vector<16xi32>
      %and3A_289 = arith.andi %add3A_286, %and3A_288 : vector<16xi32>
      %bitcast3A_290 = vector.bitcast %and3A_289 : vector<16xi32> to vector<16xf32>
      %swap3A_291 = arith.index_cast %add3A_245 : i32 to index
      %swap3A_292 = tpu.vector_load %arg8[%swap3A_291] {strides = array<i32>} : memref<8192xf32, #tpu.memory_space<vmem>>, vector<16xf32>,
      tpu.vector_store %arg8[%swap3A_291], %bitcast3A_290 {strides = array<i32>} : memref<8192xf32, #tpu.memory_space<vmem>>, vector<16xf32>,
      %bitcast3A_293 = vector.bitcast %get3A_251 : vector<16xf32> to vector<16xi32>
      %add3A_294 = arith.constant 32767 : i32
      %add3A_295 = vector.broadcast %add3A_294 : i32 to vector<16xi32>
      %add3A_296 = arith.addi %bitcast3A_293, %add3A_295 : vector<16xi32>
      %shift_right_arithmetic3A_297 = arith.constant 16 : i32
      %shift_right_arithmetic3A_298 = vector.broadcast %shift_right_arithmetic3A_297 : i32 to vector<16xi32>
      %shift_right_arithmetic3A_299 = arith.shrsi %bitcast3A_293, %shift_right_arithmetic3A_298 : vector<16xi32>
      %and3A_300 = arith.constant 1 : i32
      %and3A_301 = vector.broadcast %and3A_300 : i32 to vector<16xi32>
      %and3A_302 = arith.andi %shift_right_arithmetic3A_299, %and3A_301 : vector<16xi32>
      %add3A_303 = arith.addi %add3A_296, %and3A_302 : vector<16xi32>
      %and3A_304 = arith.constant -65536 : i32
      %and3A_305 = vector.broadcast %and3A_304 : i32 to vector<16xi32>
      %and3A_306 = arith.andi %add3A_303, %and3A_305 : vector<16xi32>
      %bitcast3A_307 = vector.bitcast %and3A_306 : vector<16xi32> to vector<16xf32>
      %swap3A_308 = arith.index_cast %add3A_245 : i32 to index
      %swap3A_309 = tpu.vector_load %arg9[%swap3A_308] {strides = array<i32>} : memref<8192xf32, #tpu.memory_space<vmem>>, vector<16xf32>,
      tpu.vector_store %arg9[%swap3A_308], %bitcast3A_307 {strides = array<i32>} : memref<8192xf32, #tpu.memory_space<vmem>>, vector<16xf32>,
      %mul3A_310 = arith.constant 128 : i32
      %mul3A_311 = arith.muli %scan3A_41, %mul3A_310 : i32
      %add3A_312 = arith.constant 64 : i32
      %add3A_313 = arith.addi %mul3A_311, %add3A_312 : i32
      %get3A_314 = arith.index_cast %add3A_313 : i32 to index
      %get3A_315 = tpu.vector_load %arg7[%get3A_314] {strides = array<i32>} : memref<8192xf32, #tpu.memory_space<vmem>>, vector<16xf32>,
      %get3A_316 = arith.index_cast %add3A_313 : i32 to index
      %get3A_317 = tpu.vector_load %arg8[%get3A_316] {strides = array<i32>} : memref<8192xf32, #tpu.memory_space<vmem>>, vector<16xf32>,
      %get3A_318 = arith.index_cast %add3A_313 : i32 to index
      %get3A_319 = tpu.vector_load %arg9[%get3A_318] {strides = array<i32>} : memref<8192xf32, #tpu.memory_space<vmem>>, vector<16xf32>,
      %mul3A_320 = arith.mulf %get3A_315, %get3A_315 : vector<16xf32>
      %mul3A_321 = arith.mulf %get3A_317, %get3A_317 : vector<16xf32>
      %add3A_322 = arith.addf %mul3A_320, %mul3A_321 : vector<16xf32>
      %mul3A_323 = arith.mulf %get3A_319, %get3A_319 : vector<16xf32>
      %add3A_324 = arith.addf %add3A_322, %mul3A_323 : vector<16xf32>
      %swap3A_325 = arith.index_cast %add3A_313 : i32 to index
      %swap3A_326 = tpu.vector_load %arg10[%swap3A_325] {strides = array<i32>} : memref<8192xf32, #tpu.memory_space<vmem>>, vector<16xf32>,
      tpu.vector_store %arg10[%swap3A_325], %add3A_324 {strides = array<i32>} : memref<8192xf32, #tpu.memory_space<vmem>>, vector<16xf32>,
      %bitcast3A_327 = vector.bitcast %get3A_315 : vector<16xf32> to vector<16xi32>
      %add3A_328 = arith.constant 32767 : i32
      %add3A_329 = vector.broadcast %add3A_328 : i32 to vector<16xi32>
      %add3A_330 = arith.addi %bitcast3A_327, %add3A_329 : vector<16xi32>
      %shift_right_arithmetic3A_331 = arith.constant 16 : i32
      %shift_right_arithmetic3A_332 = vector.broadcast %shift_right_arithmetic3A_331 : i32 to vector<16xi32>
      %shift_right_arithmetic3A_333 = arith.shrsi %bitcast3A_327, %shift_right_arithmetic3A_332 : vector<16xi32>
      %and3A_334 = arith.constant 1 : i32
      %and3A_335 = vector.broadcast %and3A_334 : i32 to vector<16xi32>
      %and3A_336 = arith.andi %shift_right_arithmetic3A_333, %and3A_335 : vector<16xi32>
      %add3A_337 = arith.addi %add3A_330, %and3A_336 : vector<16xi32>
      %and3A_338 = arith.constant -65536 : i32
      %and3A_339 = vector.broadcast %and3A_338 : i32 to vector<16xi32>
      %and3A_340 = arith.andi %add3A_337, %and3A_339 : vector<16xi32>
      %bitcast3A_341 = vector.bitcast %and3A_340 : vector<16xi32> to vector<16xf32>
      %swap3A_342 = arith.index_cast %add3A_313 : i32 to index
      %swap3A_343 = tpu.vector_load %arg7[%swap3A_342] {strides = array<i32>} : memref<8192xf32, #tpu.memory_space<vmem>>, vector<16xf32>,
      tpu.vector_store %arg7[%swap3A_342], %bitcast3A_341 {strides = array<i32>} : memref<8192xf32, #tpu.memory_space<vmem>>, vector<16xf32>,
      %bitcast3A_344 = vector.bitcast %get3A_317 : vector<16xf32> to vector<16xi32>
      %add3A_345 = arith.constant 32767 : i32
      %add3A_346 = vector.broadcast %add3A_345 : i32 to vector<16xi32>
      %add3A_347 = arith.addi %bitcast3A_344, %add3A_346 : vector<16xi32>
      %shift_right_arithmetic3A_348 = arith.constant 16 : i32
      %shift_right_arithmetic3A_349 = vector.broadcast %shift_right_arithmetic3A_348 : i32 to vector<16xi32>
      %shift_right_arithmetic3A_350 = arith.shrsi %bitcast3A_344, %shift_right_arithmetic3A_349 : vector<16xi32>
      %and3A_351 = arith.constant 1 : i32
      %and3A_352 = vector.broadcast %and3A_351 : i32 to vector<16xi32>
      %and3A_353 = arith.andi %shift_right_arithmetic3A_350, %and3A_352 : vector<16xi32>
      %add3A_354 = arith.addi %add3A_347, %and3A_353 : vector<16xi32>
      %and3A_355 = arith.constant -65536 : i32
      %and3A_356 = vector.broadcast %and3A_355 : i32 to vector<16xi32>
      %and3A_357 = arith.andi %add3A_354, %and3A_356 : vector<16xi32>
      %bitcast3A_358 = vector.bitcast %and3A_357 : vector<16xi32> to vector<16xf32>
      %swap3A_359 = arith.index_cast %add3A_313 : i32 to index
      %swap3A_360 = tpu.vector_load %arg8[%swap3A_359] {strides = array<i32>} : memref<8192xf32, #tpu.memory_space<vmem>>, vector<16xf32>,
      tpu.vector_store %arg8[%swap3A_359], %bitcast3A_358 {strides = array<i32>} : memref<8192xf32, #tpu.memory_space<vmem>>, vector<16xf32>,
      %bitcast3A_361 = vector.bitcast %get3A_319 : vector<16xf32> to vector<16xi32>
      %add3A_362 = arith.constant 32767 : i32
      %add3A_363 = vector.broadcast %add3A_362 : i32 to vector<16xi32>
      %add3A_364 = arith.addi %bitcast3A_361, %add3A_363 : vector<16xi32>
      %shift_right_arithmetic3A_365 = arith.constant 16 : i32
      %shift_right_arithmetic3A_366 = vector.broadcast %shift_right_arithmetic3A_365 : i32 to vector<16xi32>
      %shift_right_arithmetic3A_367 = arith.shrsi %bitcast3A_361, %shift_right_arithmetic3A_366 : vector<16xi32>
      %and3A_368 = arith.constant 1 : i32
      %and3A_369 = vector.broadcast %and3A_368 : i32 to vector<16xi32>
      %and3A_370 = arith.andi %shift_right_arithmetic3A_367, %and3A_369 : vector<16xi32>
      %add3A_371 = arith.addi %add3A_364, %and3A_370 : vector<16xi32>
      %and3A_372 = arith.constant -65536 : i32
      %and3A_373 = vector.broadcast %and3A_372 : i32 to vector<16xi32>
      %and3A_374 = arith.andi %add3A_371, %and3A_373 : vector<16xi32>
      %bitcast3A_375 = vector.bitcast %and3A_374 : vector<16xi32> to vector<16xf32>
      %swap3A_376 = arith.index_cast %add3A_313 : i32 to index
      %swap3A_377 = tpu.vector_load %arg9[%swap3A_376] {strides = array<i32>} : memref<8192xf32, #tpu.memory_space<vmem>>, vector<16xf32>,
      tpu.vector_store %arg9[%swap3A_376], %bitcast3A_375 {strides = array<i32>} : memref<8192xf32, #tpu.memory_space<vmem>>, vector<16xf32>,
      %mul3A_378 = arith.constant 128 : i32
      %mul3A_379 = arith.muli %scan3A_41, %mul3A_378 : i32
      %add3A_380 = arith.constant 80 : i32
      %add3A_381 = arith.addi %mul3A_379, %add3A_380 : i32
      %get3A_382 = arith.index_cast %add3A_381 : i32 to index
      %get3A_383 = tpu.vector_load %arg7[%get3A_382] {strides = array<i32>} : memref<8192xf32, #tpu.memory_space<vmem>>, vector<16xf32>,
      %get3A_384 = arith.index_cast %add3A_381 : i32 to index
      %get3A_385 = tpu.vector_load %arg8[%get3A_384] {strides = array<i32>} : memref<8192xf32, #tpu.memory_space<vmem>>, vector<16xf32>,
      %get3A_386 = arith.index_cast %add3A_381 : i32 to index
      %get3A_387 = tpu.vector_load %arg9[%get3A_386] {strides = array<i32>} : memref<8192xf32, #tpu.memory_space<vmem>>, vector<16xf32>,
      %mul3A_388 = arith.mulf %get3A_383, %get3A_383 : vector<16xf32>
      %mul3A_389 = arith.mulf %get3A_385, %get3A_385 : vector<16xf32>
      %add3A_390 = arith.addf %mul3A_388, %mul3A_389 : vector<16xf32>
      %mul3A_391 = arith.mulf %get3A_387, %get3A_387 : vector<16xf32>
      %add3A_392 = arith.addf %add3A_390, %mul3A_391 : vector<16xf32>
      %swap3A_393 = arith.index_cast %add3A_381 : i32 to index
      %swap3A_394 = tpu.vector_load %arg10[%swap3A_393] {strides = array<i32>} : memref<8192xf32, #tpu.memory_space<vmem>>, vector<16xf32>,
      tpu.vector_store %arg10[%swap3A_393], %add3A_392 {strides = array<i32>} : memref<8192xf32, #tpu.memory_space<vmem>>, vector<16xf32>,
      %bitcast3A_395 = vector.bitcast %get3A_383 : vector<16xf32> to vector<16xi32>
      %add3A_396 = arith.constant 32767 : i32
      %add3A_397 = vector.broadcast %add3A_396 : i32 to vector<16xi32>
      %add3A_398 = arith.addi %bitcast3A_395, %add3A_397 : vector<16xi32>
      %shift_right_arithmetic3A_399 = arith.constant 16 : i32
      %shift_right_arithmetic3A_400 = vector.broadcast %shift_right_arithmetic3A_399 : i32 to vector<16xi32>
      %shift_right_arithmetic3A_401 = arith.shrsi %bitcast3A_395, %shift_right_arithmetic3A_400 : vector<16xi32>
      %and3A_402 = arith.constant 1 : i32
      %and3A_403 = vector.broadcast %and3A_402 : i32 to vector<16xi32>
      %and3A_404 = arith.andi %shift_right_arithmetic3A_401, %and3A_403 : vector<16xi32>
      %add3A_405 = arith.addi %add3A_398, %and3A_404 : vector<16xi32>
      %and3A_406 = arith.constant -65536 : i32
      %and3A_407 = vector.broadcast %and3A_406 : i32 to vector<16xi32>
      %and3A_408 = arith.andi %add3A_405, %and3A_407 : vector<16xi32>
      %bitcast3A_409 = vector.bitcast %and3A_408 : vector<16xi32> to vector<16xf32>
      %swap3A_410 = arith.index_cast %add3A_381 : i32 to index
      %swap3A_411 = tpu.vector_load %arg7[%swap3A_410] {strides = array<i32>} : memref<8192xf32, #tpu.memory_space<vmem>>, vector<16xf32>,
      tpu.vector_store %arg7[%swap3A_410], %bitcast3A_409 {strides = array<i32>} : memref<8192xf32, #tpu.memory_space<vmem>>, vector<16xf32>,
      %bitcast3A_412 = vector.bitcast %get3A_385 : vector<16xf32> to vector<16xi32>
      %add3A_413 = arith.constant 32767 : i32
      %add3A_414 = vector.broadcast %add3A_413 : i32 to vector<16xi32>
      %add3A_415 = arith.addi %bitcast3A_412, %add3A_414 : vector<16xi32>
      %shift_right_arithmetic3A_416 = arith.constant 16 : i32
      %shift_right_arithmetic3A_417 = vector.broadcast %shift_right_arithmetic3A_416 : i32 to vector<16xi32>
      %shift_right_arithmetic3A_418 = arith.shrsi %bitcast3A_412, %shift_right_arithmetic3A_417 : vector<16xi32>
      %and3A_419 = arith.constant 1 : i32
      %and3A_420 = vector.broadcast %and3A_419 : i32 to vector<16xi32>
      %and3A_421 = arith.andi %shift_right_arithmetic3A_418, %and3A_420 : vector<16xi32>
      %add3A_422 = arith.addi %add3A_415, %and3A_421 : vector<16xi32>
      %and3A_423 = arith.constant -65536 : i32
      %and3A_424 = vector.broadcast %and3A_423 : i32 to vector<16xi32>
      %and3A_425 = arith.andi %add3A_422, %and3A_424 : vector<16xi32>
      %bitcast3A_426 = vector.bitcast %and3A_425 : vector<16xi32> to vector<16xf32>
      %swap3A_427 = arith.index_cast %add3A_381 : i32 to index
      %swap3A_428 = tpu.vector_load %arg8[%swap3A_427] {strides = array<i32>} : memref<8192xf32, #tpu.memory_space<vmem>>, vector<16xf32>,
      tpu.vector_store %arg8[%swap3A_427], %bitcast3A_426 {strides = array<i32>} : memref<8192xf32, #tpu.memory_space<vmem>>, vector<16xf32>,
      %bitcast3A_429 = vector.bitcast %get3A_387 : vector<16xf32> to vector<16xi32>
      %add3A_430 = arith.constant 32767 : i32
      %add3A_431 = vector.broadcast %add3A_430 : i32 to vector<16xi32>
      %add3A_432 = arith.addi %bitcast3A_429, %add3A_431 : vector<16xi32>
      %shift_right_arithmetic3A_433 = arith.constant 16 : i32
      %shift_right_arithmetic3A_434 = vector.broadcast %shift_right_arithmetic3A_433 : i32 to vector<16xi32>
      %shift_right_arithmetic3A_435 = arith.shrsi %bitcast3A_429, %shift_right_arithmetic3A_434 : vector<16xi32>
      %and3A_436 = arith.constant 1 : i32
      %and3A_437 = vector.broadcast %and3A_436 : i32 to vector<16xi32>
      %and3A_438 = arith.andi %shift_right_arithmetic3A_435, %and3A_437 : vector<16xi32>
      %add3A_439 = arith.addi %add3A_432, %and3A_438 : vector<16xi32>
      %and3A_440 = arith.constant -65536 : i32
      %and3A_441 = vector.broadcast %and3A_440 : i32 to vector<16xi32>
      %and3A_442 = arith.andi %add3A_439, %and3A_441 : vector<16xi32>
      %bitcast3A_443 = vector.bitcast %and3A_442 : vector<16xi32> to vector<16xf32>
      %swap3A_444 = arith.index_cast %add3A_381 : i32 to index
      %swap3A_445 = tpu.vector_load %arg9[%swap3A_444] {strides = array<i32>} : memref<8192xf32, #tpu.memory_space<vmem>>, vector<16xf32>,
      tpu.vector_store %arg9[%swap3A_444], %bitcast3A_443 {strides = array<i32>} : memref<8192xf32, #tpu.memory_space<vmem>>, vector<16xf32>,
      %mul3A_446 = arith.constant 128 : i32
      %mul3A_447 = arith.muli %scan3A_41, %mul3A_446 : i32
      %add3A_448 = arith.constant 96 : i32
      %add3A_449 = arith.addi %mul3A_447, %add3A_448 : i32
      %get3A_450 = arith.index_cast %add3A_449 : i32 to index
      %get3A_451 = tpu.vector_load %arg7[%get3A_450] {strides = array<i32>} : memref<8192xf32, #tpu.memory_space<vmem>>, vector<16xf32>,
      %get3A_452 = arith.index_cast %add3A_449 : i32 to index
      %get3A_453 = tpu.vector_load %arg8[%get3A_452] {strides = array<i32>} : memref<8192xf32, #tpu.memory_space<vmem>>, vector<16xf32>,
      %get3A_454 = arith.index_cast %add3A_449 : i32 to index
      %get3A_455 = tpu.vector_load %arg9[%get3A_454] {strides = array<i32>} : memref<8192xf32, #tpu.memory_space<vmem>>, vector<16xf32>,
      %mul3A_456 = arith.mulf %get3A_451, %get3A_451 : vector<16xf32>
      %mul3A_457 = arith.mulf %get3A_453, %get3A_453 : vector<16xf32>
      %add3A_458 = arith.addf %mul3A_456, %mul3A_457 : vector<16xf32>
      %mul3A_459 = arith.mulf %get3A_455, %get3A_455 : vector<16xf32>
      %add3A_460 = arith.addf %add3A_458, %mul3A_459 : vector<16xf32>
      %swap3A_461 = arith.index_cast %add3A_449 : i32 to index
      %swap3A_462 = tpu.vector_load %arg10[%swap3A_461] {strides = array<i32>} : memref<8192xf32, #tpu.memory_space<vmem>>, vector<16xf32>,
      tpu.vector_store %arg10[%swap3A_461], %add3A_460 {strides = array<i32>} : memref<8192xf32, #tpu.memory_space<vmem>>, vector<16xf32>,
      %bitcast3A_463 = vector.bitcast %get3A_451 : vector<16xf32> to vector<16xi32>
      %add3A_464 = arith.constant 32767 : i32
      %add3A_465 = vector.broadcast %add3A_464 : i32 to vector<16xi32>
      %add3A_466 = arith.addi %bitcast3A_463, %add3A_465 : vector<16xi32>
      %shift_right_arithmetic3A_467 = arith.constant 16 : i32
      %shift_right_arithmetic3A_468 = vector.broadcast %shift_right_arithmetic3A_467 : i32 to vector<16xi32>
      %shift_right_arithmetic3A_469 = arith.shrsi %bitcast3A_463, %shift_right_arithmetic3A_468 : vector<16xi32>
      %and3A_470 = arith.constant 1 : i32
      %and3A_471 = vector.broadcast %and3A_470 : i32 to vector<16xi32>
      %and3A_472 = arith.andi %shift_right_arithmetic3A_469, %and3A_471 : vector<16xi32>
      %add3A_473 = arith.addi %add3A_466, %and3A_472 : vector<16xi32>
      %and3A_474 = arith.constant -65536 : i32
      %and3A_475 = vector.broadcast %and3A_474 : i32 to vector<16xi32>
      %and3A_476 = arith.andi %add3A_473, %and3A_475 : vector<16xi32>
      %bitcast3A_477 = vector.bitcast %and3A_476 : vector<16xi32> to vector<16xf32>
      %swap3A_478 = arith.index_cast %add3A_449 : i32 to index
      %swap3A_479 = tpu.vector_load %arg7[%swap3A_478] {strides = array<i32>} : memref<8192xf32, #tpu.memory_space<vmem>>, vector<16xf32>,
      tpu.vector_store %arg7[%swap3A_478], %bitcast3A_477 {strides = array<i32>} : memref<8192xf32, #tpu.memory_space<vmem>>, vector<16xf32>,
      %bitcast3A_480 = vector.bitcast %get3A_453 : vector<16xf32> to vector<16xi32>
      %add3A_481 = arith.constant 32767 : i32
      %add3A_482 = vector.broadcast %add3A_481 : i32 to vector<16xi32>
      %add3A_483 = arith.addi %bitcast3A_480, %add3A_482 : vector<16xi32>
      %shift_right_arithmetic3A_484 = arith.constant 16 : i32
      %shift_right_arithmetic3A_485 = vector.broadcast %shift_right_arithmetic3A_484 : i32 to vector<16xi32>
      %shift_right_arithmetic3A_486 = arith.shrsi %bitcast3A_480, %shift_right_arithmetic3A_485 : vector<16xi32>
      %and3A_487 = arith.constant 1 : i32
      %and3A_488 = vector.broadcast %and3A_487 : i32 to vector<16xi32>
      %and3A_489 = arith.andi %shift_right_arithmetic3A_486, %and3A_488 : vector<16xi32>
      %add3A_490 = arith.addi %add3A_483, %and3A_489 : vector<16xi32>
      %and3A_491 = arith.constant -65536 : i32
      %and3A_492 = vector.broadcast %and3A_491 : i32 to vector<16xi32>
      %and3A_493 = arith.andi %add3A_490, %and3A_492 : vector<16xi32>
      %bitcast3A_494 = vector.bitcast %and3A_493 : vector<16xi32> to vector<16xf32>
      %swap3A_495 = arith.index_cast %add3A_449 : i32 to index
      %swap3A_496 = tpu.vector_load %arg8[%swap3A_495] {strides = array<i32>} : memref<8192xf32, #tpu.memory_space<vmem>>, vector<16xf32>,
      tpu.vector_store %arg8[%swap3A_495], %bitcast3A_494 {strides = array<i32>} : memref<8192xf32, #tpu.memory_space<vmem>>, vector<16xf32>,
      %bitcast3A_497 = vector.bitcast %get3A_455 : vector<16xf32> to vector<16xi32>
      %add3A_498 = arith.constant 32767 : i32
      %add3A_499 = vector.broadcast %add3A_498 : i32 to vector<16xi32>
      %add3A_500 = arith.addi %bitcast3A_497, %add3A_499 : vector<16xi32>
      %shift_right_arithmetic3A_501 = arith.constant 16 : i32
      %shift_right_arithmetic3A_502 = vector.broadcast %shift_right_arithmetic3A_501 : i32 to vector<16xi32>
      %shift_right_arithmetic3A_503 = arith.shrsi %bitcast3A_497, %shift_right_arithmetic3A_502 : vector<16xi32>
      %and3A_504 = arith.constant 1 : i32
      %and3A_505 = vector.broadcast %and3A_504 : i32 to vector<16xi32>
      %and3A_506 = arith.andi %shift_right_arithmetic3A_503, %and3A_505 : vector<16xi32>
      %add3A_507 = arith.addi %add3A_500, %and3A_506 : vector<16xi32>
      %and3A_508 = arith.constant -65536 : i32
      %and3A_509 = vector.broadcast %and3A_508 : i32 to vector<16xi32>
      %and3A_510 = arith.andi %add3A_507, %and3A_509 : vector<16xi32>
      %bitcast3A_511 = vector.bitcast %and3A_510 : vector<16xi32> to vector<16xf32>
      %swap3A_512 = arith.index_cast %add3A_449 : i32 to index
      %swap3A_513 = tpu.vector_load %arg9[%swap3A_512] {strides = array<i32>} : memref<8192xf32, #tpu.memory_space<vmem>>, vector<16xf32>,
      tpu.vector_store %arg9[%swap3A_512], %bitcast3A_511 {strides = array<i32>} : memref<8192xf32, #tpu.memory_space<vmem>>, vector<16xf32>,
      %mul3A_514 = arith.constant 128 : i32
      %mul3A_515 = arith.muli %scan3A_41, %mul3A_514 : i32
      %add3A_516 = arith.constant 112 : i32
      %add3A_517 = arith.addi %mul3A_515, %add3A_516 : i32
      %get3A_518 = arith.index_cast %add3A_517 : i32 to index
      %get3A_519 = tpu.vector_load %arg7[%get3A_518] {strides = array<i32>} : memref<8192xf32, #tpu.memory_space<vmem>>, vector<16xf32>,
      %get3A_520 = arith.index_cast %add3A_517 : i32 to index
      %get3A_521 = tpu.vector_load %arg8[%get3A_520] {strides = array<i32>} : memref<8192xf32, #tpu.memory_space<vmem>>, vector<16xf32>,
      %get3A_522 = arith.index_cast %add3A_517 : i32 to index
      %get3A_523 = tpu.vector_load %arg9[%get3A_522] {strides = array<i32>} : memref<8192xf32, #tpu.memory_space<vmem>>, vector<16xf32>,
      %mul3A_524 = arith.mulf %get3A_519, %get3A_519 : vector<16xf32>
      %mul3A_525 = arith.mulf %get3A_521, %get3A_521 : vector<16xf32>
      %add3A_526 = arith.addf %mul3A_524, %mul3A_525 : vector<16xf32>
      %mul3A_527 = arith.mulf %get3A_523, %get3A_523 : vector<16xf32>
      %add3A_528 = arith.addf %add3A_526, %mul3A_527 : vector<16xf32>
      %swap3A_529 = arith.index_cast %add3A_517 : i32 to index
      %swap3A_530 = tpu.vector_load %arg10[%swap3A_529] {strides = array<i32>} : memref<8192xf32, #tpu.memory_space<vmem>>, vector<16xf32>,
      tpu.vector_store %arg10[%swap3A_529], %add3A_528 {strides = array<i32>} : memref<8192xf32, #tpu.memory_space<vmem>>, vector<16xf32>,
      %bitcast3A_531 = vector.bitcast %get3A_519 : vector<16xf32> to vector<16xi32>
      %add3A_532 = arith.constant 32767 : i32
      %add3A_533 = vector.broadcast %add3A_532 : i32 to vector<16xi32>
      %add3A_534 = arith.addi %bitcast3A_531, %add3A_533 : vector<16xi32>
      %shift_right_arithmetic3A_535 = arith.constant 16 : i32
      %shift_right_arithmetic3A_536 = vector.broadcast %shift_right_arithmetic3A_535 : i32 to vector<16xi32>
      %shift_right_arithmetic3A_537 = arith.shrsi %bitcast3A_531, %shift_right_arithmetic3A_536 : vector<16xi32>
      %and3A_538 = arith.constant 1 : i32
      %and3A_539 = vector.broadcast %and3A_538 : i32 to vector<16xi32>
      %and3A_540 = arith.andi %shift_right_arithmetic3A_537, %and3A_539 : vector<16xi32>
      %add3A_541 = arith.addi %add3A_534, %and3A_540 : vector<16xi32>
      %and3A_542 = arith.constant -65536 : i32
      %and3A_543 = vector.broadcast %and3A_542 : i32 to vector<16xi32>
      %and3A_544 = arith.andi %add3A_541, %and3A_543 : vector<16xi32>
      %bitcast3A_545 = vector.bitcast %and3A_544 : vector<16xi32> to vector<16xf32>
      %swap3A_546 = arith.index_cast %add3A_517 : i32 to index
      %swap3A_547 = tpu.vector_load %arg7[%swap3A_546] {strides = array<i32>} : memref<8192xf32, #tpu.memory_space<vmem>>, vector<16xf32>,
      tpu.vector_store %arg7[%swap3A_546], %bitcast3A_545 {strides = array<i32>} : memref<8192xf32, #tpu.memory_space<vmem>>, vector<16xf32>,
      %bitcast3A_548 = vector.bitcast %get3A_521 : vector<16xf32> to vector<16xi32>
      %add3A_549 = arith.constant 32767 : i32
      %add3A_550 = vector.broadcast %add3A_549 : i32 to vector<16xi32>
      %add3A_551 = arith.addi %bitcast3A_548, %add3A_550 : vector<16xi32>
      %shift_right_arithmetic3A_552 = arith.constant 16 : i32
      %shift_right_arithmetic3A_553 = vector.broadcast %shift_right_arithmetic3A_552 : i32 to vector<16xi32>
      %shift_right_arithmetic3A_554 = arith.shrsi %bitcast3A_548, %shift_right_arithmetic3A_553 : vector<16xi32>
      %and3A_555 = arith.constant 1 : i32
      %and3A_556 = vector.broadcast %and3A_555 : i32 to vector<16xi32>
      %and3A_557 = arith.andi %shift_right_arithmetic3A_554, %and3A_556 : vector<16xi32>
      %add3A_558 = arith.addi %add3A_551, %and3A_557 : vector<16xi32>
      %and3A_559 = arith.constant -65536 : i32
      %and3A_560 = vector.broadcast %and3A_559 : i32 to vector<16xi32>
      %and3A_561 = arith.andi %add3A_558, %and3A_560 : vector<16xi32>
      %bitcast3A_562 = vector.bitcast %and3A_561 : vector<16xi32> to vector<16xf32>
      %swap3A_563 = arith.index_cast %add3A_517 : i32 to index
      %swap3A_564 = tpu.vector_load %arg8[%swap3A_563] {strides = array<i32>} : memref<8192xf32, #tpu.memory_space<vmem>>, vector<16xf32>,
      tpu.vector_store %arg8[%swap3A_563], %bitcast3A_562 {strides = array<i32>} : memref<8192xf32, #tpu.memory_space<vmem>>, vector<16xf32>,
      %bitcast3A_565 = vector.bitcast %get3A_523 : vector<16xf32> to vector<16xi32>
      %add3A_566 = arith.constant 32767 : i32
      %add3A_567 = vector.broadcast %add3A_566 : i32 to vector<16xi32>
      %add3A_568 = arith.addi %bitcast3A_565, %add3A_567 : vector<16xi32>
      %shift_right_arithmetic3A_569 = arith.constant 16 : i32
      %shift_right_arithmetic3A_570 = vector.broadcast %shift_right_arithmetic3A_569 : i32 to vector<16xi32>
      %shift_right_arithmetic3A_571 = arith.shrsi %bitcast3A_565, %shift_right_arithmetic3A_570 : vector<16xi32>
      %and3A_572 = arith.constant 1 : i32
      %and3A_573 = vector.broadcast %and3A_572 : i32 to vector<16xi32>
      %and3A_574 = arith.andi %shift_right_arithmetic3A_571, %and3A_573 : vector<16xi32>
      %add3A_575 = arith.addi %add3A_568, %and3A_574 : vector<16xi32>
      %and3A_576 = arith.constant -65536 : i32
      %and3A_577 = vector.broadcast %and3A_576 : i32 to vector<16xi32>
      %and3A_578 = arith.andi %add3A_575, %and3A_577 : vector<16xi32>
      %bitcast3A_579 = vector.bitcast %and3A_578 : vector<16xi32> to vector<16xf32>
      %swap3A_580 = arith.index_cast %add3A_517 : i32 to index
      %swap3A_581 = tpu.vector_load %arg9[%swap3A_580] {strides = array<i32>} : memref<8192xf32, #tpu.memory_space<vmem>>, vector<16xf32>,
      tpu.vector_store %arg9[%swap3A_580], %bitcast3A_579 {strides = array<i32>} : memref<8192xf32, #tpu.memory_space<vmem>>, vector<16xf32>,
    }
    %scan3A_32 = arith.constant 64 : i32
    %scan3A_33 = arith.constant 0 : i32
    %scan3A_34 = arith.constant 2.000000e+00 : f32
    %scan3A_35 = arith.constant 4.000000e-02 : f32
    %scan3A_36 = arith.constant 0 : i32
    %scan3A_37 = arith.constant 128 : i32
    %scan3A_38 = arith.addi %scan3A_36, %scan3A_37 : i32
    %scan3A_39 = arith.constant 1 : i32
    scf.for %scan3A_41 = %scan3A_36 to %scan3A_38 step %scan3A_39  : i32 {
      %broadcast_in_dim3A_42 = vector.broadcast %scan3A_41 : i32 to vector<16xi32>
      %gather3A = tpu.vector_load_idx %arg12[%broadcast_in_dim3A_42] : memref<128xf32, #tpu.memory_space<vmem>>[vector<16xi32>], vector<16xf32>,
      %mul3A_43 = vector.broadcast %scan3A_34 : f32 to vector<16xf32>
      %mul3A_44 = arith.mulf %gather3A, %mul3A_43 : vector<16xf32>
      %gather3A_45 = tpu.vector_load_idx %arg13[%broadcast_in_dim3A_42] : memref<128xf32, #tpu.memory_space<vmem>>[vector<16xi32>], vector<16xf32>,
      %mul3A_46 = vector.broadcast %scan3A_34 : f32 to vector<16xf32>
      %mul3A_47 = arith.mulf %gather3A_45, %mul3A_46 : vector<16xf32>
      %gather3A_48 = tpu.vector_load_idx %arg14[%broadcast_in_dim3A_42] : memref<128xf32, #tpu.memory_space<vmem>>[vector<16xi32>], vector<16xf32>,
      %mul3A_49 = vector.broadcast %scan3A_34 : f32 to vector<16xf32>
      %mul3A_50 = arith.mulf %gather3A_48, %mul3A_49 : vector<16xf32>
      %gather3A_51 = tpu.vector_load_idx %arg15[%broadcast_in_dim3A_42] : memref<128xf32, #tpu.memory_space<vmem>>[vector<16xi32>], vector<16xf32>,
      %while3A = arith.constant 0 : i32
      %while3A_52 = arith.constant 0 : i32
      %while3A_53:2 = scf.while (%while3A_79 = %while3A, %while3A_80 = %while3A_52) : (i32, i32) -> (i32, i32) {
        %lt3A_81 = arith.constant 32 : i32
        %lt3A_82 = arith.cmpi slt, %while3A_80, %lt3A_81 : i32
        %lt3A_83 = arith.constant 8192 : i32
        %lt3A_84 = arith.cmpi slt, %while3A_79, %lt3A_83 : i32
        %and3A_85 = arith.andi %lt3A_82, %lt3A_84 : i1
        scf.condition(%and3A_85) %while3A_79, %while3A_80 : i32, i32
      } do {
      ^bb0(%while3A_79: i32, %while3A_80: i32):
        %add3A_81 = arith.constant 0 : i32
        %add3A_82 = arith.addi %while3A_79, %add3A_81 : i32
        %get3A_83 = arith.index_cast %add3A_82 : i32 to index
        %get3A_84 = tpu.vector_load %arg7[%get3A_83] {strides = array<i32>} : memref<8192xf32, #tpu.memory_space<vmem>>, vector<16xf32>,
        %mul3A_85 = arith.mulf %get3A_84, %mul3A_44 : vector<16xf32>
        %get3A_86 = arith.index_cast %add3A_82 : i32 to index
        %get3A_87 = tpu.vector_load %arg8[%get3A_86] {strides = array<i32>} : memref<8192xf32, #tpu.memory_space<vmem>>, vector<16xf32>,
        %mul3A_88 = arith.mulf %get3A_87, %mul3A_47 : vector<16xf32>
        %add3A_89 = arith.addf %mul3A_85, %mul3A_88 : vector<16xf32>
        %get3A_90 = arith.index_cast %add3A_82 : i32 to index
        %get3A_91 = tpu.vector_load %arg9[%get3A_90] {strides = array<i32>} : memref<8192xf32, #tpu.memory_space<vmem>>, vector<16xf32>,
        %mul3A_92 = arith.mulf %get3A_91, %mul3A_50 : vector<16xf32>
        %add3A_93 = arith.addf %add3A_89, %mul3A_92 : vector<16xf32>
        %get3A_94 = arith.index_cast %add3A_82 : i32 to index
        %get3A_95 = tpu.vector_load %arg10[%get3A_94] {strides = array<i32>} : memref<8192xf32, #tpu.memory_space<vmem>>, vector<16xf32>,
        %add3A_96 = arith.addf %gather3A_51, %get3A_95 : vector<16xf32>
        %sub3A_97 = arith.subf %add3A_96, %add3A_93 : vector<16xf32>
        %le3A = vector.broadcast %scan3A_35 : f32 to vector<16xf32>
        %le3A_98 = arith.cmpf ole, %sub3A_97, %le3A : vector<16xf32>
        %add3A_99 = arith.constant 16 : i32
        %add3A_100 = arith.addi %while3A_79, %add3A_99 : i32
        %get3A_101 = arith.index_cast %add3A_100 : i32 to index
        %get3A_102 = tpu.vector_load %arg7[%get3A_101] {strides = array<i32>} : memref<8192xf32, #tpu.memory_space<vmem>>, vector<16xf32>,
        %mul3A_103 = arith.mulf %get3A_102, %mul3A_44 : vector<16xf32>
        %get3A_104 = arith.index_cast %add3A_100 : i32 to index
        %get3A_105 = tpu.vector_load %arg8[%get3A_104] {strides = array<i32>} : memref<8192xf32, #tpu.memory_space<vmem>>, vector<16xf32>,
        %mul3A_106 = arith.mulf %get3A_105, %mul3A_47 : vector<16xf32>
        %add3A_107 = arith.addf %mul3A_103, %mul3A_106 : vector<16xf32>
        %get3A_108 = arith.index_cast %add3A_100 : i32 to index
        %get3A_109 = tpu.vector_load %arg9[%get3A_108] {strides = array<i32>} : memref<8192xf32, #tpu.memory_space<vmem>>, vector<16xf32>,
        %mul3A_110 = arith.mulf %get3A_109, %mul3A_50 : vector<16xf32>
        %add3A_111 = arith.addf %add3A_107, %mul3A_110 : vector<16xf32>
        %get3A_112 = arith.index_cast %add3A_100 : i32 to index
        %get3A_113 = tpu.vector_load %arg10[%get3A_112] {strides = array<i32>} : memref<8192xf32, #tpu.memory_space<vmem>>, vector<16xf32>,
        %add3A_114 = arith.addf %gather3A_51, %get3A_113 : vector<16xf32>
        %sub3A_115 = arith.subf %add3A_114, %add3A_111 : vector<16xf32>
        %le3A_116 = vector.broadcast %scan3A_35 : f32 to vector<16xf32>
        %le3A_117 = arith.cmpf ole, %sub3A_115, %le3A_116 : vector<16xf32>
        %add3A_118 = arith.constant 32 : i32
        %add3A_119 = arith.addi %while3A_79, %add3A_118 : i32
        %get3A_120 = arith.index_cast %add3A_119 : i32 to index
        %get3A_121 = tpu.vector_load %arg7[%get3A_120] {strides = array<i32>} : memref<8192xf32, #tpu.memory_space<vmem>>, vector<16xf32>,
        %mul3A_122 = arith.mulf %get3A_121, %mul3A_44 : vector<16xf32>
        %get3A_123 = arith.index_cast %add3A_119 : i32 to index
        %get3A_124 = tpu.vector_load %arg8[%get3A_123] {strides = array<i32>} : memref<8192xf32, #tpu.memory_space<vmem>>, vector<16xf32>,
        %mul3A_125 = arith.mulf %get3A_124, %mul3A_47 : vector<16xf32>
        %add3A_126 = arith.addf %mul3A_122, %mul3A_125 : vector<16xf32>
        %get3A_127 = arith.index_cast %add3A_119 : i32 to index
        %get3A_128 = tpu.vector_load %arg9[%get3A_127] {strides = array<i32>} : memref<8192xf32, #tpu.memory_space<vmem>>, vector<16xf32>,
        %mul3A_129 = arith.mulf %get3A_128, %mul3A_50 : vector<16xf32>
        %add3A_130 = arith.addf %add3A_126, %mul3A_129 : vector<16xf32>
        %get3A_131 = arith.index_cast %add3A_119 : i32 to index
        %get3A_132 = tpu.vector_load %arg10[%get3A_131] {strides = array<i32>} : memref<8192xf32, #tpu.memory_space<vmem>>, vector<16xf32>,
        %add3A_133 = arith.addf %gather3A_51, %get3A_132 : vector<16xf32>
        %sub3A_134 = arith.subf %add3A_133, %add3A_130 : vector<16xf32>
        %le3A_135 = vector.broadcast %scan3A_35 : f32 to vector<16xf32>
        %le3A_136 = arith.cmpf ole, %sub3A_134, %le3A_135 : vector<16xf32>
        %add3A_137 = arith.constant 48 : i32
        %add3A_138 = arith.addi %while3A_79, %add3A_137 : i32
        %get3A_139 = arith.index_cast %add3A_138 : i32 to index
        %get3A_140 = tpu.vector_load %arg7[%get3A_139] {strides = array<i32>} : memref<8192xf32, #tpu.memory_space<vmem>>, vector<16xf32>,
        %mul3A_141 = arith.mulf %get3A_140, %mul3A_44 : vector<16xf32>
        %get3A_142 = arith.index_cast %add3A_138 : i32 to index
        %get3A_143 = tpu.vector_load %arg8[%get3A_142] {strides = array<i32>} : memref<8192xf32, #tpu.memory_space<vmem>>, vector<16xf32>,
        %mul3A_144 = arith.mulf %get3A_143, %mul3A_47 : vector<16xf32>
        %add3A_145 = arith.addf %mul3A_141, %mul3A_144 : vector<16xf32>
        %get3A_146 = arith.index_cast %add3A_138 : i32 to index
        %get3A_147 = tpu.vector_load %arg9[%get3A_146] {strides = array<i32>} : memref<8192xf32, #tpu.memory_space<vmem>>, vector<16xf32>,
        %mul3A_148 = arith.mulf %get3A_147, %mul3A_50 : vector<16xf32>
        %add3A_149 = arith.addf %add3A_145, %mul3A_148 : vector<16xf32>
        %get3A_150 = arith.index_cast %add3A_138 : i32 to index
        %get3A_151 = tpu.vector_load %arg10[%get3A_150] {strides = array<i32>} : memref<8192xf32, #tpu.memory_space<vmem>>, vector<16xf32>,
        %add3A_152 = arith.addf %gather3A_51, %get3A_151 : vector<16xf32>
        %sub3A_153 = arith.subf %add3A_152, %add3A_149 : vector<16xf32>
        %le3A_154 = vector.broadcast %scan3A_35 : f32 to vector<16xf32>
        %le3A_155 = arith.cmpf ole, %sub3A_153, %le3A_154 : vector<16xf32>
        %add3A_156 = arith.constant 64 : i32
        %add3A_157 = arith.addi %while3A_79, %add3A_156 : i32
        %get3A_158 = arith.index_cast %add3A_157 : i32 to index
        %get3A_159 = tpu.vector_load %arg7[%get3A_158] {strides = array<i32>} : memref<8192xf32, #tpu.memory_space<vmem>>, vector<16xf32>,
        %mul3A_160 = arith.mulf %get3A_159, %mul3A_44 : vector<16xf32>
        %get3A_161 = arith.index_cast %add3A_157 : i32 to index
        %get3A_162 = tpu.vector_load %arg8[%get3A_161] {strides = array<i32>} : memref<8192xf32, #tpu.memory_space<vmem>>, vector<16xf32>,
        %mul3A_163 = arith.mulf %get3A_162, %mul3A_47 : vector<16xf32>
        %add3A_164 = arith.addf %mul3A_160, %mul3A_163 : vector<16xf32>
        %get3A_165 = arith.index_cast %add3A_157 : i32 to index
        %get3A_166 = tpu.vector_load %arg9[%get3A_165] {strides = array<i32>} : memref<8192xf32, #tpu.memory_space<vmem>>, vector<16xf32>,
        %mul3A_167 = arith.mulf %get3A_166, %mul3A_50 : vector<16xf32>
        %add3A_168 = arith.addf %add3A_164, %mul3A_167 : vector<16xf32>
        %get3A_169 = arith.index_cast %add3A_157 : i32 to index
        %get3A_170 = tpu.vector_load %arg10[%get3A_169] {strides = array<i32>} : memref<8192xf32, #tpu.memory_space<vmem>>, vector<16xf32>,
        %add3A_171 = arith.addf %gather3A_51, %get3A_170 : vector<16xf32>
        %sub3A_172 = arith.subf %add3A_171, %add3A_168 : vector<16xf32>
        %le3A_173 = vector.broadcast %scan3A_35 : f32 to vector<16xf32>
        %le3A_174 = arith.cmpf ole, %sub3A_172, %le3A_173 : vector<16xf32>
        %add3A_175 = arith.constant 80 : i32
        %add3A_176 = arith.addi %while3A_79, %add3A_175 : i32
        %get3A_177 = arith.index_cast %add3A_176 : i32 to index
        %get3A_178 = tpu.vector_load %arg7[%get3A_177] {strides = array<i32>} : memref<8192xf32, #tpu.memory_space<vmem>>, vector<16xf32>,
        %mul3A_179 = arith.mulf %get3A_178, %mul3A_44 : vector<16xf32>
        %get3A_180 = arith.index_cast %add3A_176 : i32 to index
        %get3A_181 = tpu.vector_load %arg8[%get3A_180] {strides = array<i32>} : memref<8192xf32, #tpu.memory_space<vmem>>, vector<16xf32>,
        %mul3A_182 = arith.mulf %get3A_181, %mul3A_47 : vector<16xf32>
        %add3A_183 = arith.addf %mul3A_179, %mul3A_182 : vector<16xf32>
        %get3A_184 = arith.index_cast %add3A_176 : i32 to index
        %get3A_185 = tpu.vector_load %arg9[%get3A_184] {strides = array<i32>} : memref<8192xf32, #tpu.memory_space<vmem>>, vector<16xf32>,
        %mul3A_186 = arith.mulf %get3A_185, %mul3A_50 : vector<16xf32>
        %add3A_187 = arith.addf %add3A_183, %mul3A_186 : vector<16xf32>
        %get3A_188 = arith.index_cast %add3A_176 : i32 to index
        %get3A_189 = tpu.vector_load %arg10[%get3A_188] {strides = array<i32>} : memref<8192xf32, #tpu.memory_space<vmem>>, vector<16xf32>,
        %add3A_190 = arith.addf %gather3A_51, %get3A_189 : vector<16xf32>
        %sub3A_191 = arith.subf %add3A_190, %add3A_187 : vector<16xf32>
        %le3A_192 = vector.broadcast %scan3A_35 : f32 to vector<16xf32>
        %le3A_193 = arith.cmpf ole, %sub3A_191, %le3A_192 : vector<16xf32>
        %add3A_194 = arith.constant 96 : i32
        %add3A_195 = arith.addi %while3A_79, %add3A_194 : i32
        %get3A_196 = arith.index_cast %add3A_195 : i32 to index
        %get3A_197 = tpu.vector_load %arg7[%get3A_196] {strides = array<i32>} : memref<8192xf32, #tpu.memory_space<vmem>>, vector<16xf32>,
        %mul3A_198 = arith.mulf %get3A_197, %mul3A_44 : vector<16xf32>
        %get3A_199 = arith.index_cast %add3A_195 : i32 to index
        %get3A_200 = tpu.vector_load %arg8[%get3A_199] {strides = array<i32>} : memref<8192xf32, #tpu.memory_space<vmem>>, vector<16xf32>,
        %mul3A_201 = arith.mulf %get3A_200, %mul3A_47 : vector<16xf32>
        %add3A_202 = arith.addf %mul3A_198, %mul3A_201 : vector<16xf32>
        %get3A_203 = arith.index_cast %add3A_195 : i32 to index
        %get3A_204 = tpu.vector_load %arg9[%get3A_203] {strides = array<i32>} : memref<8192xf32, #tpu.memory_space<vmem>>, vector<16xf32>,
        %mul3A_205 = arith.mulf %get3A_204, %mul3A_50 : vector<16xf32>
        %add3A_206 = arith.addf %add3A_202, %mul3A_205 : vector<16xf32>
        %get3A_207 = arith.index_cast %add3A_195 : i32 to index
        %get3A_208 = tpu.vector_load %arg10[%get3A_207] {strides = array<i32>} : memref<8192xf32, #tpu.memory_space<vmem>>, vector<16xf32>,
        %add3A_209 = arith.addf %gather3A_51, %get3A_208 : vector<16xf32>
        %sub3A_210 = arith.subf %add3A_209, %add3A_206 : vector<16xf32>
        %le3A_211 = vector.broadcast %scan3A_35 : f32 to vector<16xf32>
        %le3A_212 = arith.cmpf ole, %sub3A_210, %le3A_211 : vector<16xf32>
        %add3A_213 = arith.constant 112 : i32
        %add3A_214 = arith.addi %while3A_79, %add3A_213 : i32
        %get3A_215 = arith.index_cast %add3A_214 : i32 to index
        %get3A_216 = tpu.vector_load %arg7[%get3A_215] {strides = array<i32>} : memref<8192xf32, #tpu.memory_space<vmem>>, vector<16xf32>,
        %mul3A_217 = arith.mulf %get3A_216, %mul3A_44 : vector<16xf32>
        %get3A_218 = arith.index_cast %add3A_214 : i32 to index
        %get3A_219 = tpu.vector_load %arg8[%get3A_218] {strides = array<i32>} : memref<8192xf32, #tpu.memory_space<vmem>>, vector<16xf32>,
        %mul3A_220 = arith.mulf %get3A_219, %mul3A_47 : vector<16xf32>
        %add3A_221 = arith.addf %mul3A_217, %mul3A_220 : vector<16xf32>
        %get3A_222 = arith.index_cast %add3A_214 : i32 to index
        %get3A_223 = tpu.vector_load %arg9[%get3A_222] {strides = array<i32>} : memref<8192xf32, #tpu.memory_space<vmem>>, vector<16xf32>,
        %mul3A_224 = arith.mulf %get3A_223, %mul3A_50 : vector<16xf32>
        %add3A_225 = arith.addf %add3A_221, %mul3A_224 : vector<16xf32>
        %get3A_226 = arith.index_cast %add3A_214 : i32 to index
        %get3A_227 = tpu.vector_load %arg10[%get3A_226] {strides = array<i32>} : memref<8192xf32, #tpu.memory_space<vmem>>, vector<16xf32>,
        %add3A_228 = arith.addf %gather3A_51, %get3A_227 : vector<16xf32>
        %sub3A_229 = arith.subf %add3A_228, %add3A_225 : vector<16xf32>
        %le3A_230 = vector.broadcast %scan3A_35 : f32 to vector<16xf32>
        %le3A_231 = arith.cmpf ole, %sub3A_229, %le3A_230 : vector<16xf32>
        %all_reduce_population_count3A = tpu.all_reduce %le3A_98 {dim = 0 : i64, kind = #tpu.reduction_kind<sum>} : vector<16xi1> -> vector<16xi32>
        %slice3A = vector.extract_strided_slice %all_reduce_population_count3A {offsets = [0], sizes = [1], strides = [1]} : vector<16xi32> to vector<1xi32>
        %squeeze3A = vector.extract %slice3A[0] : i32 from vector<1xi32>
        %all_reduce_population_count3A_232 = tpu.all_reduce %le3A_117 {dim = 0 : i64, kind = #tpu.reduction_kind<sum>} : vector<16xi1> -> vector<16xi32>
        %slice3A_233 = vector.extract_strided_slice %all_reduce_population_count3A_232 {offsets = [0], sizes = [1], strides = [1]} : vector<16xi32> to vector<1xi32>
        %squeeze3A_234 = vector.extract %slice3A_233[0] : i32 from vector<1xi32>
        %all_reduce_population_count3A_235 = tpu.all_reduce %le3A_136 {dim = 0 : i64, kind = #tpu.reduction_kind<sum>} : vector<16xi1> -> vector<16xi32>
        %slice3A_236 = vector.extract_strided_slice %all_reduce_population_count3A_235 {offsets = [0], sizes = [1], strides = [1]} : vector<16xi32> to vector<1xi32>
        %squeeze3A_237 = vector.extract %slice3A_236[0] : i32 from vector<1xi32>
        %all_reduce_population_count3A_238 = tpu.all_reduce %le3A_155 {dim = 0 : i64, kind = #tpu.reduction_kind<sum>} : vector<16xi1> -> vector<16xi32>
        %slice3A_239 = vector.extract_strided_slice %all_reduce_population_count3A_238 {offsets = [0], sizes = [1], strides = [1]} : vector<16xi32> to vector<1xi32>
        %squeeze3A_240 = vector.extract %slice3A_239[0] : i32 from vector<1xi32>
        %all_reduce_population_count3A_241 = tpu.all_reduce %le3A_174 {dim = 0 : i64, kind = #tpu.reduction_kind<sum>} : vector<16xi1> -> vector<16xi32>
        %slice3A_242 = vector.extract_strided_slice %all_reduce_population_count3A_241 {offsets = [0], sizes = [1], strides = [1]} : vector<16xi32> to vector<1xi32>
        %squeeze3A_243 = vector.extract %slice3A_242[0] : i32 from vector<1xi32>
        %all_reduce_population_count3A_244 = tpu.all_reduce %le3A_193 {dim = 0 : i64, kind = #tpu.reduction_kind<sum>} : vector<16xi1> -> vector<16xi32>
        %slice3A_245 = vector.extract_strided_slice %all_reduce_population_count3A_244 {offsets = [0], sizes = [1], strides = [1]} : vector<16xi32> to vector<1xi32>
        %squeeze3A_246 = vector.extract %slice3A_245[0] : i32 from vector<1xi32>
        %all_reduce_population_count3A_247 = tpu.all_reduce %le3A_212 {dim = 0 : i64, kind = #tpu.reduction_kind<sum>} : vector<16xi1> -> vector<16xi32>
        %slice3A_248 = vector.extract_strided_slice %all_reduce_population_count3A_247 {offsets = [0], sizes = [1], strides = [1]} : vector<16xi32> to vector<1xi32>
        %squeeze3A_249 = vector.extract %slice3A_248[0] : i32 from vector<1xi32>
        %all_reduce_population_count3A_250 = tpu.all_reduce %le3A_231 {dim = 0 : i64, kind = #tpu.reduction_kind<sum>} : vector<16xi1> -> vector<16xi32>
        %slice3A_251 = vector.extract_strided_slice %all_reduce_population_count3A_250 {offsets = [0], sizes = [1], strides = [1]} : vector<16xi32> to vector<1xi32>
        %squeeze3A_252 = vector.extract %slice3A_251[0] : i32 from vector<1xi32>
        %add3A_253 = arith.constant 0 : i32
        %add3A_254 = arith.addi %while3A_79, %add3A_253 : i32
        %add3A_255 = vector.broadcast %add3A_254 : i32 to vector<16xi32>
        %add3A_256 = arith.addi %iota3A, %add3A_255 : vector<16xi32>
        %swap3A_257 = arith.index_cast %while3A_80 : i32 to index
        %swap3A_258 = tpu.vector_load %arg16[%swap3A_257] masked %le3A_98 {strides = array<i32>} : memref<160xi32, #tpu.memory_space<vmem>>, vector<16xi32>, vector<16xi1>
        tpu.vector_store %arg16[%swap3A_257], %add3A_256 masked %le3A_98 {strides = array<i32>} : memref<160xi32, #tpu.memory_space<vmem>>, vector<16xi32>, vector<16xi1>
        %add3A_259 = arith.addi %while3A_80, %squeeze3A : i32
        %add3A_260 = arith.constant 16 : i32
        %add3A_261 = arith.addi %while3A_79, %add3A_260 : i32
        %add3A_262 = vector.broadcast %add3A_261 : i32 to vector<16xi32>
        %add3A_263 = arith.addi %iota3A, %add3A_262 : vector<16xi32>
        %swap3A_264 = arith.index_cast %add3A_259 : i32 to index
        %swap3A_265 = tpu.vector_load %arg16[%swap3A_264] masked %le3A_117 {strides = array<i32>} : memref<160xi32, #tpu.memory_space<vmem>>, vector<16xi32>, vector<16xi1>
        tpu.vector_store %arg16[%swap3A_264], %add3A_263 masked %le3A_117 {strides = array<i32>} : memref<160xi32, #tpu.memory_space<vmem>>, vector<16xi32>, vector<16xi1>
        %add3A_266 = arith.addi %add3A_259, %squeeze3A_234 : i32
        %add3A_267 = arith.constant 32 : i32
        %add3A_268 = arith.addi %while3A_79, %add3A_267 : i32
        %add3A_269 = vector.broadcast %add3A_268 : i32 to vector<16xi32>
        %add3A_270 = arith.addi %iota3A, %add3A_269 : vector<16xi32>
        %swap3A_271 = arith.index_cast %add3A_266 : i32 to index
        %swap3A_272 = tpu.vector_load %arg16[%swap3A_271] masked %le3A_136 {strides = array<i32>} : memref<160xi32, #tpu.memory_space<vmem>>, vector<16xi32>, vector<16xi1>
        tpu.vector_store %arg16[%swap3A_271], %add3A_270 masked %le3A_136 {strides = array<i32>} : memref<160xi32, #tpu.memory_space<vmem>>, vector<16xi32>, vector<16xi1>
        %add3A_273 = arith.addi %add3A_266, %squeeze3A_237 : i32
        %add3A_274 = arith.constant 48 : i32
        %add3A_275 = arith.addi %while3A_79, %add3A_274 : i32
        %add3A_276 = vector.broadcast %add3A_275 : i32 to vector<16xi32>
        %add3A_277 = arith.addi %iota3A, %add3A_276 : vector<16xi32>
        %swap3A_278 = arith.index_cast %add3A_273 : i32 to index
        %swap3A_279 = tpu.vector_load %arg16[%swap3A_278] masked %le3A_155 {strides = array<i32>} : memref<160xi32, #tpu.memory_space<vmem>>, vector<16xi32>, vector<16xi1>
        tpu.vector_store %arg16[%swap3A_278], %add3A_277 masked %le3A_155 {strides = array<i32>} : memref<160xi32, #tpu.memory_space<vmem>>, vector<16xi32>, vector<16xi1>
        %add3A_280 = arith.addi %add3A_273, %squeeze3A_240 : i32
        %add3A_281 = arith.constant 64 : i32
        %add3A_282 = arith.addi %while3A_79, %add3A_281 : i32
        %add3A_283 = vector.broadcast %add3A_282 : i32 to vector<16xi32>
        %add3A_284 = arith.addi %iota3A, %add3A_283 : vector<16xi32>
        %swap3A_285 = arith.index_cast %add3A_280 : i32 to index
        %swap3A_286 = tpu.vector_load %arg16[%swap3A_285] masked %le3A_174 {strides = array<i32>} : memref<160xi32, #tpu.memory_space<vmem>>, vector<16xi32>, vector<16xi1>
        tpu.vector_store %arg16[%swap3A_285], %add3A_284 masked %le3A_174 {strides = array<i32>} : memref<160xi32, #tpu.memory_space<vmem>>, vector<16xi32>, vector<16xi1>
        %add3A_287 = arith.addi %add3A_280, %squeeze3A_243 : i32
        %add3A_288 = arith.constant 80 : i32
        %add3A_289 = arith.addi %while3A_79, %add3A_288 : i32
        %add3A_290 = vector.broadcast %add3A_289 : i32 to vector<16xi32>
        %add3A_291 = arith.addi %iota3A, %add3A_290 : vector<16xi32>
        %swap3A_292 = arith.index_cast %add3A_287 : i32 to index
        %swap3A_293 = tpu.vector_load %arg16[%swap3A_292] masked %le3A_193 {strides = array<i32>} : memref<160xi32, #tpu.memory_space<vmem>>, vector<16xi32>, vector<16xi1>
        tpu.vector_store %arg16[%swap3A_292], %add3A_291 masked %le3A_193 {strides = array<i32>} : memref<160xi32, #tpu.memory_space<vmem>>, vector<16xi32>, vector<16xi1>
        %add3A_294 = arith.addi %add3A_287, %squeeze3A_246 : i32
        %add3A_295 = arith.constant 96 : i32
        %add3A_296 = arith.addi %while3A_79, %add3A_295 : i32
        %add3A_297 = vector.broadcast %add3A_296 : i32 to vector<16xi32>
        %add3A_298 = arith.addi %iota3A, %add3A_297 : vector<16xi32>
        %swap3A_299 = arith.index_cast %add3A_294 : i32 to index
        %swap3A_300 = tpu.vector_load %arg16[%swap3A_299] masked %le3A_212 {strides = array<i32>} : memref<160xi32, #tpu.memory_space<vmem>>, vector<16xi32>, vector<16xi1>
        tpu.vector_store %arg16[%swap3A_299], %add3A_298 masked %le3A_212 {strides = array<i32>} : memref<160xi32, #tpu.memory_space<vmem>>, vector<16xi32>, vector<16xi1>
        %add3A_301 = arith.addi %add3A_294, %squeeze3A_249 : i32
        %add3A_302 = arith.constant 112 : i32
        %add3A_303 = arith.addi %while3A_79, %add3A_302 : i32
        %add3A_304 = vector.broadcast %add3A_303 : i32 to vector<16xi32>
        %add3A_305 = arith.addi %iota3A, %add3A_304 : vector<16xi32>
        %swap3A_306 = arith.index_cast %add3A_301 : i32 to index
        %swap3A_307 = tpu.vector_load %arg16[%swap3A_306] masked %le3A_231 {strides = array<i32>} : memref<160xi32, #tpu.memory_space<vmem>>, vector<16xi32>, vector<16xi1>
        tpu.vector_store %arg16[%swap3A_306], %add3A_305 masked %le3A_231 {strides = array<i32>} : memref<160xi32, #tpu.memory_space<vmem>>, vector<16xi32>, vector<16xi1>
        %add3A_308 = arith.addi %add3A_301, %squeeze3A_252 : i32
        %add3A_309 = arith.constant 128 : i32
        %add3A_310 = arith.addi %while3A_79, %add3A_309 : i32
        scf.yield %add3A_310, %add3A_308 : i32, i32
      }
      %gather3A_54 = tpu.vector_load_idx %arg16[%broadcast_in_dim3A_21] : memref<160xi32, #tpu.memory_space<vmem>>[vector<16xi32>], vector<16xi32>,
      %broadcast_in_dim3A_55 = vector.broadcast %while3A_53#1 : i32 to vector<16xi32>
      %get3A = arith.constant 0 : index
      %get3A_56 = tpu.vector_load %arg16[%get3A] {strides = array<i32>} : memref<160xi32, #tpu.memory_space<vmem>>, vector<16xi32>,
      %add3A_57 = arith.constant 0 : i32
      %add3A_58 = vector.broadcast %add3A_57 : i32 to vector<16xi32>
      %add3A_59 = arith.addi %iota3A, %add3A_58 : vector<16xi32>
      %lt3A = arith.cmpi slt, %add3A_59, %broadcast_in_dim3A_55 : vector<16xi32>
      %select_n3A_60 = arith.select %lt3A, %get3A_56, %gather3A_54 : vector<16xi1>, vector<16xi32>
      %mul3A_61 = arith.constant 32 : i32
      %mul3A_62 = arith.muli %scan3A_41, %mul3A_61 : i32
      %add3A_63 = arith.constant 0 : i32
      %add3A_64 = arith.addi %mul3A_62, %add3A_63 : i32
      %swap3A = arith.index_cast %add3A_64 : i32 to index
      %swap3A_65 = tpu.vector_load %arg17[%swap3A] {strides = array<i32>} : memref<4096xi32, #tpu.memory_space<vmem>>, vector<16xi32>,
      tpu.vector_store %arg17[%swap3A], %select_n3A_60 {strides = array<i32>} : memref<4096xi32, #tpu.memory_space<vmem>>, vector<16xi32>,
      %get3A_66 = arith.constant 16 : index
      %get3A_67 = tpu.vector_load %arg16[%get3A_66] {strides = array<i32>} : memref<160xi32, #tpu.memory_space<vmem>>, vector<16xi32>,
      %add3A_68 = arith.constant 16 : i32
      %add3A_69 = vector.broadcast %add3A_68 : i32 to vector<16xi32>
      %add3A_70 = arith.addi %iota3A, %add3A_69 : vector<16xi32>
      %lt3A_71 = arith.cmpi slt, %add3A_70, %broadcast_in_dim3A_55 : vector<16xi32>
      %select_n3A_72 = arith.select %lt3A_71, %get3A_67, %gather3A_54 : vector<16xi1>, vector<16xi32>
      %mul3A_73 = arith.constant 32 : i32
      %mul3A_74 = arith.muli %scan3A_41, %mul3A_73 : i32
      %add3A_75 = arith.constant 16 : i32
      %add3A_76 = arith.addi %mul3A_74, %add3A_75 : i32
      %swap3A_77 = arith.index_cast %add3A_76 : i32 to index
      %swap3A_78 = tpu.vector_load %arg17[%swap3A_77] {strides = array<i32>} : memref<4096xi32, #tpu.memory_space<vmem>>, vector<16xi32>,
      tpu.vector_store %arg17[%swap3A_77], %select_n3A_72 {strides = array<i32>} : memref<4096xi32, #tpu.memory_space<vmem>>, vector<16xi32>,
    }
    %scan3A_40 = arith.constant 128 : i32
    "tpu.region"() ({
      %run_scoped3A = tpu.sem_alloc : memref<!tpu.dma_semaphore, #tpu.memory_space<semaphore_mem>>
      %dma_start3A = arith.constant 0 : i32
      %dma_start3A_41 = tpu.memref_slice %arg6[%add3A, %dma_start3A] : memref<32x4096xi32, #tpu.memory_space<hbm>> -> memref<1x4096xi32, #tpu.memory_space<hbm>>
      %dma_start3A_42 = tpu.memref_squeeze %dma_start3A_41 : memref<1x4096xi32, #tpu.memory_space<hbm>> -> memref<4096xi32, #tpu.memory_space<hbm>>
      %dma_start3A_43 = arith.constant 0 : i32
      %dma_start3A_44 = tpu.memref_slice %arg6[%add3A, %dma_start3A_43] : memref<32x4096xi32, #tpu.memory_space<hbm>> -> memref<1x4096xi32, #tpu.memory_space<hbm>>
      %dma_start3A_45 = tpu.memref_squeeze %dma_start3A_44 : memref<1x4096xi32, #tpu.memory_space<hbm>> -> memref<4096xi32, #tpu.memory_space<hbm>>
      tpu.enqueue_dma source(%arg17 : memref<4096xi32, #tpu.memory_space<vmem>>) target(%dma_start3A_45 : memref<4096xi32, #tpu.memory_space<hbm>>) target_semaphore(%run_scoped3A : memref<!tpu.dma_semaphore, #tpu.memory_space<semaphore_mem>>)
      %dma_wait3A = arith.constant 0 : i32
      %dma_wait3A_46 = tpu.memref_slice %arg6[%add3A, %dma_wait3A] : memref<32x4096xi32, #tpu.memory_space<hbm>> -> memref<1x4096xi32, #tpu.memory_space<hbm>>
      %dma_wait3A_47 = tpu.memref_squeeze %dma_wait3A_46 : memref<1x4096xi32, #tpu.memory_space<hbm>> -> memref<4096xi32, #tpu.memory_space<hbm>>
      %dma_wait3A_48 = arith.constant 0 : i32
      %dma_wait3A_49 = tpu.memref_slice %arg6[%add3A, %dma_wait3A_48] : memref<32x4096xi32, #tpu.memory_space<hbm>> -> memref<1x4096xi32, #tpu.memory_space<hbm>>
      %dma_wait3A_50 = tpu.memref_squeeze %dma_wait3A_49 : memref<1x4096xi32, #tpu.memory_space<hbm>> -> memref<4096xi32, #tpu.memory_space<hbm>>
      tpu.wait_dma2 semaphore(%run_scoped3A : memref<!tpu.dma_semaphore, #tpu.memory_space<semaphore_mem>>) src(%arg17 : memref<4096xi32, #tpu.memory_space<vmem>>) dst(%dma_wait3A_50 : memref<4096xi32, #tpu.memory_space<hbm>>)
      tpu.yield
    }) : () -> ()
    return
  }
}

</mosaic_0001>

<sc_bundles>
// kernel: kernel.3.cloned.1.call-start
scs
__scs_entry_jumppad:
0x0: {  	(pc) =	sbr.rel $0x88, $3  }
0x1: {  	(tag) =	ssettag $0x0;
	lr =	simm.s32 $0x1  }
0x2: {  	[smem:$0x3F9F] =	sst lr;
	_ =	strace $0xD0000000  }
0x3: {  	_ = 	snop  }
0x4: {  	_ = 	snop  }
0x5: {  	_ = 	snop  }
0x6: {  	_ = 	snop  }
0x7: {  	_ = 	snop  }
__scs_overlays_trampoline_lowered:
0x8: {  	[smem:$0x3FAE] =	sst s0  }
0x9: {  	[smem:$0x3FAF] =	sst s1  }
0xa: {  	[smem:$0x3FB0] =	sst s2  }
0xb: {  	[smem:$0x3FB1] =	sst s3  }
0xc: {  	[smem:$0x3FB2] =	sst s4  }
0xd: {  	[smem:$0x3FB3] =	sst s5  }
0xe: {  	[smem:$0x3FB4] =	sst s6  }
0xf: {  	[smem:$0x3FB5] =	sst s7  }
0x10: {  	[smem:$0x3FB6] =	sst s8  }
0x11: {  	[smem:$0x3FB7] =	sst s9;
	s0 =	simm.s32 @!p0 $0x0  }
0x12: {  	s1 =	sld [smem:$0x3F9D];
	s0 =	simm.s32 @p0 $0x1  }
0x13: {  	[smem:$0x3FB8] =	sst s0;
	s0 =	simm.s32 @!p1 $0x0  }
0x14: {  	s2 =	sld [smem:$0x3F9C];
	s0 =	simm.s32 @p1 $0x1  }
0x15: {  	[smem:$0x3FB9] =	sst s0;
	s0 =	simm.s32 @!p2 $0x0  }
0x16: {  	s3 =	sld [smem:$0x3FDB];
	s0 =	simm.s32 @p2 $0x1  }
0x17: {  	s4 =	simm.s32 $0x1BF5;
	[smem:$0x3FBB] =	sst s0  }
0x18: {  	s0 =	sld [smem:$0x3F9E];
	_ =	swait.ge [sflag:s4], $0x0  }
0x19: {  	s7 =	sld [smem:$0x3F9F]  }
0x1a: {  	s8 =	sadd.s32 $0xFFFFE003, lr  }
0x1b: {  	s9 =	sadd.s32 $0xFFFFFEF7, lr;
	s5 =	simm.s32 $0xFFFFFFFF;
	p2 =	slt.u32 s8, $0xFFFFF086  }
0x1c: {  	p1 =	slt.u32 s9, $0xF7A;
	s5 =	simm.s32 @!p2 $0x0  }
0x1d: {  	s5 =	simm.s32 @p1 $0x1;
	p0 =	seq.s32 s7, s2  }
0x1e: {  	s7 =	smul.u32 @!p0 $0xF7A, s2;
	p2 =	seq.s32 @!p0 s5, $0x0  }
0x1f: {  	s9 =	smul.u32 $0xF7A, s1;
	s8 =	simm.s32 @!p0 $0x1BF5;
	p2 =	por !p2, p0  }
0x20: {  	[sflag:s8] =	ssyncset.s32 @!p0 $0xFFFFF086;
	s6 =	sadd.s32 @!p0 s3, s7;
	s7 =	simm.s32 @!p0 $0x108  }
0x21: {  	s3 =	sadd.s32 s3, s9;
	s6 =	sadd.s32 @!p0 $0x88, s6;
	s7 =	simm.s32 @p2 $0x1082  }
0x22: {  	[simem:s7], [sflag:s8] =	dma.local @!p0 [hbm:s6], $0xF7A  }
0x23: {  	s9 =	sor.u32 $0xD0000000, s2;
	s6 =	simm.s32 $0x108;
	_ =	swait.ge @!p0 [sflag:s8], $0x0  }
0x24: {  	s3 =	sadd.s32 $0x88, s3;
	s6 =	simm.s32 @!p1 $0x1082;
	[sflag:s4] =	ssyncset.s32 $0xFFFFF086  }
0x25: {  	[simem:s6], [sflag:s4] =	dma.local [hbm:s3], $0xF7A  }
0x26: {  	[smem:$0x3F9F] =	sst s1;
	(tag) =	ssettag s2;
	_ =	strace s9  }
0x27: {  	s1 =	sld [smem:$0x3FAF]  }
0x28: {  	s2 =	sld [smem:$0x3FB0]  }
0x29: {  	s4 =	sld [smem:$0x3FB2]  }
0x2a: {  	p0 =	seq.s32 s5, $0x0;
	s5 =	sld [smem:$0x3FB3]  }
0x2b: {  	s6 =	sld [smem:$0x3FB4]  }
0x2c: {  	s7 =	sld [smem:$0x3FB5]  }
0x2d: {  	s3 =	simm.s32 $0x108;
	s8 =	sld [smem:$0x3FB6]  }
0x2e: {  	s3 =	simm.s32 @!p0 $0x1082;
	s9 =	sld [smem:$0x3FB7]  }
0x2f: {  	lr =	sadd.s32 s0, s3;
	s0 =	sld [smem:$0x3FAE]  }
0x30: {  	s3 =	sld [smem:$0x3FB1]  }
0x31: {  	[smem:$0x3FBA] =	sst s10  }
0x32: {  	s10 =	sld [smem:$0x3FB8];
	_ =	sdelay $0x3  }
0x33: {  	p0 =	seq.s32 s10, $0x1;
	s10 =	sld [smem:$0x3FBA];
	_ =	sdelay $0x3  }
0x34: {  	[smem:$0x3FBA] =	sst s10  }
0x35: {  	s10 =	sld [smem:$0x3FB9];
	_ =	sdelay $0x3  }
0x36: {  	p1 =	seq.s32 s10, $0x1;
	s10 =	sld [smem:$0x3FBA];
	_ =	sdelay $0x3  }
0x37: {  	[smem:$0x3FBA] =	sst s10  }
0x38: {  	s10 =	sld [smem:$0x3FBB]  }
0x39: {  	_ = 	snop;
	(pc) =	sbr.ind lr, $3  }
0x3a: {  	_ = 	snop  }
0x3b: {  	_ = 	snop  }
0x3c: {  	p2 =	seq.s32 s10, $0x1;
	s10 =	sld [smem:$0x3FBA]  }
0x3d: {  	_ =	shalt  }
0x3e: {  	_ =	shalt  }
0x3f: {  	_ =	shalt  }
0x40: {  	_ =	shalt  }
0x41: {  	_ =	shalt  }
0x42: {  	_ =	shalt  }
0x43: {  	_ =	shalt  }
0x44: {  	_ =	shalt  }
0x45: {  	_ =	shalt  }
0x46: {  	_ =	shalt  }
0x47: {  	_ =	shalt  }
0x48: {  	_ =	shalt  }
0x49: {  	_ =	shalt  }
0x4a: {  	_ =	shalt  }
0x4b: {  	_ =	shalt  }
0x4c: {  	_ =	shalt  }
0x4d: {  	_ =	shalt  }
0x4e: {  	_ =	shalt  }
0x4f: {  	_ =	shalt  }
0x50: {  	_ =	shalt  }
0x51: {  	_ =	shalt  }
0x52: {  	_ =	shalt  }
0x53: {  	_ =	shalt  }
0x54: {  	_ =	shalt  }
0x55: {  	_ =	shalt  }
0x56: {  	_ =	shalt  }
0x57: {  	_ =	shalt  }
0x58: {  	_ =	shalt  }
0x59: {  	_ =	shalt  }
0x5a: {  	_ =	shalt  }
0x5b: {  	_ =	shalt  }
0x5c: {  	_ =	shalt  }
0x5d: {  	_ =	shalt  }
0x5e: {  	_ =	shalt  }
0x5f: {  	_ =	shalt  }
0x60: {  	_ =	shalt  }
0x61: {  	_ =	shalt  }
0x62: {  	_ =	shalt  }
0x63: {  	_ =	shalt  }
0x64: {  	_ =	shalt  }
0x65: {  	_ =	shalt  }
0x66: {  	_ =	shalt  }
0x67: {  	_ =	shalt  }
0x68: {  	_ =	shalt  }
0x69: {  	_ =	shalt  }
0x6a: {  	_ =	shalt  }
0x6b: {  	_ =	shalt  }
0x6c: {  	_ =	shalt  }
0x6d: {  	_ =	shalt  }
0x6e: {  	_ =	shalt  }
0x6f: {  	_ =	shalt  }
0x70: {  	_ =	shalt  }
0x71: {  	_ =	shalt  }
0x72: {  	_ =	shalt  }
0x73: {  	_ =	shalt  }
0x74: {  	_ =	shalt  }
0x75: {  	_ =	shalt  }
0x76: {  	_ =	shalt  }
0x77: {  	_ =	shalt  }
0x78: {  	_ =	shalt  }
0x79: {  	_ =	shalt  }
0x7a: {  	_ =	shalt  }
0x7b: {  	_ =	shalt  }
0x7c: {  	_ =	shalt  }
0x7d: {  	_ =	shalt  }
0x7e: {  	_ =	shalt  }
0x7f: {  	_ =	shalt  }
0x80: {  	_ =	shalt  }
0x81: {  	_ =	shalt  }
0x82: {  	_ =	shalt  }
0x83: {  	_ =	shalt  }
0x84: {  	_ =	shalt  }
0x85: {  	_ =	shalt  }
0x86: {  	_ =	shalt  }
0x87: {  	_ =	shalt  }
.Lfunc_end0:
.L_simem_size_0:
called_computation_lowered:
.L_overlay_start_0:
0x88: {  	s2 =	sld [smem:$0x3FD9]  }
0x89: {  	s3 =	sld [smem:$0x3FFE];
	_ =	sdelay $0x1  }
0x8a: {  	s1 =	srdreg.scid  }
0x8b: {  	s0 =	sand.u32 $0x1, s1  }
0x8c: {  	s17 =	sshll.u32 s0, $0xA;
	s2 =	sadd.s32 s3, s2  }
0x8d: {  	s2 =	sadd.s32 s2, s17  }
0x8e: {  	[smem:$0x3FC6] =	sst s2  }
0x8f: {  	_ = 	snop  }
0x90: {  	s2 =	sld [smem:$0x3FC8]  }
0x91: {  	s18 =	sld [smem:$0x3FD0];
	(tm) =	ssettm $0x1  }
0x92: {  	s4 =	sld [smem:$0x3FFB];
	_ =	sdelay $0x3  }
0x93: {  	_ =	strace s4  }
0x94: {  	s4 =	sld [smem:$0x3FFC];
	_ =	sdelay $0x3  }
0x95: {  	_ =	strace s4  }
0x96: {  	s4 =	sld [smem:$0x3FFD];
	_ =	sdelay $0x3  }
0x97: {  	_ =	strace s4  }
0x98: {  	_ =	strace $0x8FFFFFFF  }
0x99: {  	s19 =	sld [smem:$0x3FDB];
	_ =	sdelay $0x1  }
0x9a: {  	s5 =	simm.s32 $_scs_section_size  }
0x9b: {  	s6 =	simm.s32 $_size__tile_overlayer_lowered;
	s7 =	simm.s32 $_tile_overlayer_lowered  }
0x9c: {  	s22 =	simm.s32 $0x1BFF;
	s21 =	sshll.u32 s7, $0x1;
	s4 =	sadd.s32 s5, s19  }
0x9d: {  	s8 =	simm.s32 $0x0;
	s20 =	sshll.u32 s6, $0x1;
	s6 =	sadd.s32 s21, s4  }
0x9e: {  	[timem:s8], [sflag:s22] =	dma.local [hbm:s6], s20  }
0x9f: {  	_ =	swait.ge [sflag:s22], s20  }
0xa0: {  	s5 =	ssub.s32 $0x0, s20;
	[sflag:s22] =	ssyncset.done $0x0  }
0xa1: {  	[sflag:s22] =	ssyncadd.s32 s5;
	_ =	sdelay $0x1  }
0xa2: {  	s23 =	simm.s32 $0x1B8B  }
0xa3: {  	_ =	swait.ge [sflag:s23], $0x1  }
0xa4: {  	[sflag:s23] =	ssyncset.done $0x0  }
0xa5: {  	s25 =	simm.s32 $0x1B8E;
	s24 =	sld [smem:$0x3FFE];
	[sflag:s23] =	ssyncadd.s32 $0xFFFFFFFF  }
0xa6: {  	s26 =	simm.s32 $execute0_lowered;
	[smem:$0x3FD2] =	sst s25  }
0xa7: {  	s6 =	sshll.u32 s26, $0x1;
	_ =	strace $0x80000046;
	[dreg:$0x1] =	wrdreg $0xFFFFFFFF  }
0xa8: {  	s28 =	simm.s32 $_size_execute0_lowered;
	s4 =	sadd.s32 s4, s6;
	[dreg:$0x0] =	wrdreg $0x0  }
0xa9: {  	s6 =	sshll.u32 s28, $0x1;
	[dreg:$0x2] =	wrdreg s4  }
0xaa: {  	[dreg:$0x3] =	wrdreg s6  }
0xab: {  	[dreg:$0x4] =	wrdreg $0xC0  }
0xac: {  	_ =	task [dreg:s8], $0x5FFFF  }
0xad: {  	[dreg:$0x1] =	wrdreg $0xFFFFFFFF  }
0xae: {  	[dreg:$0x0] =	wrdreg $0x60  }
0xaf: {  	[dreg:$0x2] =	wrdreg s24  }
0xb0: {  	[dreg:$0x3] =	wrdreg s2  }
0xb1: {  	[dreg:$0x4] =	wrdreg s18  }
0xb2: {  	[dreg:$0x5] =	wrdreg $0x9  }
0xb3: {  	_ =	task.clear_ibuf [dreg:s8], $0x6FFFF;
	_ =	strace $0x90000046  }
0xb4: {  	s29 =	simm.s32 $0x9;
	_ =	strace $0x80000048  }
0xb5: {  	_ =	swait.ge [sflag:s29], $0x1  }
0xb6: {  	[sflag:s29] =	ssyncadd.s32 $0xFFFFFFFF  }
0xb7: {  	_ =	strace $0x90000048  }
0xb8: {  	_ =	sfence  }
0xb9: {  	s30 =	sld [smem:$0x0];
	_ =	sdelay $0x2  }
0xba: {  	s31 =	sshll.u32 s1, $0xD;
	s1 =	sshrl.u32 s1, $0x2  }
0xbb: {  	s3 =	sand.u32 $0x4000, s31;
	s1 =	sadd.s32 s1, s30  }
0xbc: {  	s0 =	sor.u32 s3, s0;
	s1 =	sshll.u32 s1, $0x11  }
0xbd: {  	s0 =	sor.u32 s1, s0  }
0xbe: {  	s0 =	sadd.s32 $0x8F2B, s0  }
0xbf: {  	[sflag:s0] =	ssyncadd.remote.s32 $0x1  }
0xc0: {  	_ =	sfence.sel $0xFFFF  }
0xc1: {  	[dreg:$0x0] =	wrdreg $0xFFFFFFFF;
	(pc) =	sbr.abs _section_cstart, $3  }
0xc2: {  	[dreg:$0x1] =	wrdreg $0xFFFFFFFF  }
0xc3: {  	_ =	task.clear_ibuf [dreg:s8], $0x2FFFF;
	_ =	strace $0x9FFFFFFF  }
0xc4: {  	(tm) =	ssettm $0x7FFFFFFF  }
0xc5: {  	_ =	shalt  }
tec
execute0_lowered:
.L_overlay_start_1:
0x0: {  	(tag) =	ssettag $0x1  }
0x1: {  	s3 =	rddreg [dreg:$0x0]  }
0x2: {  	s6 =	rddreg [dreg:$0x1]  }
0x3: {  	s7 =	rddreg [dreg:$0x2];
	s2 =	simm.s32 $0x0;
	s0 =	stileid.u32  }
0x4: {  	s4 =	srdreg.scid;
	s12 =	simm.s32 $0x2000;
	s13 =	simm.s32 $0x4000  }
0x5: {  	s15 =	simm.s32 $0x8080;
	s16 =	simm.s32 $0x8100;
	s17 =	simm.s32 $0x8180  }
0x6: {  	s18 =	simm.s32 $0x8200;
	s19 =	simm.s32 $0x8280;
	s21 =	simm.s32 $0x0  }
0x7: {  	[smem:$0x7FF] =	sst s2;
	s5 =	sshll.u32 s0, $0x3;
	s4 =	sand.u32 $0x1, s4  }
0x8: {  	s9 =	sshll.u32 s0, $0x1;
	s10 =	sshll.u32 s0, $0x6;
	s31 =	sshll.u32 s0, $0xA  }
0x9: {  	_ =	strace $0x80000047;
	s5 =	sand.u32 $0x70, s5;
	s8 =	ssub.s32 $0x2, s4  }
0xa: {  	s9 =	sor.u32 s4, s9;
	s5 =	sadd.s32 s5, s3;
	s30 =	sshrl.u32 s8, $0x1  }
0xb: {  	s11 =	sshll.u32 s9, $0xA;
	s9 =	sshll.u32 s9, $0x4;
	s8 =	ssub.s32 s8, s30  }
0xc: {  	s3 =	sadd.s32 $0x4600, s5;
	s4 =	sadd.s32 $0x2600, s5;
	s10 =	sor.u32 s10, s11  }
0xd: {  	s5 =	sadd.s32 $0x600, s5;
	s11 =	sand.u32 $0x3000, s31;
	s9 =	sand.u32 $0x70, s9  }
0xe: {  	s10 =	sand.u32 $0xF80, s10;
	s7 =	sadd.s32 s7, s11;
	s8 =	smax.u32 s8, $0x1  }
0xf: {  	v0 =	vlaneseq.u32;
	s11 =	simm.s32 $0x1;
	s10 =	sshrl.u32 s10, $0x3;
	s7 =	sadd.s32 s9, s7  }
0x10: {  	v1 =	vor.u32 $0x10, v0;
	s9 =	simm.s32 $0x80;
	s6 =	sadd.s32 s6, s10;
	s10 =	simm.s32 $0x400  }
.LBB2_1:
0x11: {  	[tilespmem:s2], [sflag:$0x1] =	stream.strided.gather [hbm4b:s3+s9], $0x2000, s10, s9, $0x38;
	[tilespmem:$0x9380] =	vst v63  }
0x12: {  	_ =	swait.ge [sflag:s11], $0x2000  }
0x13: {  	[sflag:s11] =	ssyncset.done $0x0  }
0x14: {  	[sflag:s11] =	ssyncadd.s32 $0xFFFFE000  }
0x15: {  	[tilespmem:s12], [sflag:$0x1] =	stream.strided.gather [hbm4b:s4+s9], $0x2000, s10, s9, $0x38;
	[tilespmem:$0x9380] =	vst v63  }
0x16: {  	_ =	swait.ge [sflag:s11], $0x2000  }
0x17: {  	[sflag:s11] =	ssyncset.done $0x0  }
0x18: {  	[sflag:s11] =	ssyncadd.s32 $0xFFFFE000  }
0x19: {  	[tilespmem:s13], [sflag:$0x1] =	stream.strided.gather [hbm4b:s5+s9], $0x2000, s10, s9, $0x38;
	[tilespmem:$0x9380] =	vst v63  }
0x1a: {  	_ =	swait.ge [sflag:s11], $0x2000  }
0x1b: {  	[sflag:s11] =	ssyncset.done $0x0  }
0x1c: {  	s0 =	simm.s32 $0x8000;
	[sflag:s11] =	ssyncadd.s32 $0xFFFFE000  }
0x1d: {  	[tilespmem:s0], [sflag:$0x1] =	stream.linear.gather [hbm4b:s6+s2], $0x80, $0x38;
	[tilespmem:$0x9380] =	vst v63  }
0x1e: {  	_ =	swait.ge [sflag:s11], $0x80  }
0x1f: {  	[sflag:s11] =	ssyncset.done $0x0  }
0x20: {  	s23 =	simm.s32 $0x0;
	[sflag:s11] =	ssyncadd.s32 $0xFFFFFF80  }
0x21: {  	v2 =	vld [tilespmem:s23+$0x8000];
	_ =	sdelay $0x7  }
0x22: {  	v4 =	vld.idx.msk [tilespmem:v2+s13+$0x0], $0xffff  }
0x23: {  	v5 =	vld.idx.msk [tilespmem:v2+s2+$0x0], $0xffff  }
0x24: {  	v2 =	vld.idx.msk [tilespmem:v2+s12+$0x0], $0xffff;
	_ =	sdelay $0x2  }
0x25: {  	v3 =	vmul.f32 v4, v4  }
0x26: {  	v6 =	vshrl.u32 v4, $0x10;
	v7 =	vmul.f32 v5, v5;
	v8 =	vshrl.u32 v5, $0x10  }
0x27: {  	v9 =	vmul.f32 v2, v2;
	v10 =	vshrl.u32 v2, $0x10;
	v8 =	vand.u32 $0x1, v8  }
0x28: {  	s24 =	simm.s32 $0x10;
	v6 =	vand.u32 $0x1, v6;
	v5 =	vadd.s32 v8, v5;
	v8 =	vand.u32 $0x1, v10  }
0x29: {  	v6 =	vadd.s32 v6, v4;
	v4 =	vadd.f32 v9, v7;
	v7 =	vadd.s32 v8, v2;
	v2 =	vld [tilespmem:s24+$0x8000];
	_ =	sdelay $0x1  }
0x2a: {  	v8 =	vadd.s32 $0x7FFF, v6  }
0x2b: {  	s25 =	simm.s32 $0x80;
	v5 =	vadd.s32 $0x7FFF, v5;
	v6 =	vadd.s32 $0x7FFF, v7;
	v7 =	vand.u32 $0xFFFF0000, v8  }
.LBB2_2:
0x2c: {  	p0 =	sne.s32 s25, $0x1C0;
	v3 =	vadd.f32 v3, v4;
	v4 =	vand.u32 $0xFFFF0000, v5;
	v5 =	vand.u32 $0xFFFF0000, v6;
	[tilespmem:s23+$0x8180] =	vst v7;
	s26 =	smov.u32 s25;
	s25 =	sadd.s32 $0x40, s25  }
0x2d: {  	[tilespmem:s23+$0x8100] =	vst v5  }
0x2e: {  	[tilespmem:s23+$0x8200] =	vst v3  }
0x2f: {  	[tilespmem:s23+$0x8080] =	vst v4;
	s23 =	smov.u32 s24  }
0x30: {  	s22 =	simm.s32 $0x0;
	v4 =	vld.idx.msk [tilespmem:v2+s13+$0x0], $0xffff  }
0x31: {  	v5 =	vld.idx.msk [tilespmem:v2+s22+$0x0], $0xffff  }
0x32: {  	v6 =	vld.idx.msk [tilespmem:v2+s12+$0x0], $0xffff;
	_ =	sdelay $0x3  }
0x33: {  	v3 =	vmul.f32 v4, v4;
	v2 =	vshrl.u32 v4, $0x10  }
.Ltmp0:
0x34: {  	s24 =	sshra.s32 s26, $0x2;
	v7 =	vmul.f32 v5, v5;
	v8 =	vshrl.u32 v5, $0x10;
	v9 =	vand.u32 $0x1, v2;
	(pc) =	sbr.rel @p0 .LBB2_2-.Ltmp0, $4  }
0x35: {  	v10 =	vmul.f32 v6, v6;
	v8 =	vand.u32 $0x1, v8;
	v11 =	vshrl.u32 v6, $0x10;
	v2 =	vld [tilespmem:s24+$0x8000]  }
0x36: {  	v9 =	vadd.s32 v9, v4;
	v5 =	vadd.s32 v8, v5;
	v8 =	vand.u32 $0x1, v11  }
0x37: {  	v4 =	vadd.f32 v10, v7;
	v6 =	vadd.s32 v8, v6;
	v7 =	vadd.s32 $0x7FFF, v9  }
0x38: {  	v5 =	vadd.s32 $0x7FFF, v5;
	v6 =	vadd.s32 $0x7FFF, v6;
	v7 =	vand.u32 $0xFFFF0000, v7  }
0x39: {  	_ = 	snop  }
0x3a: {  	v3 =	vadd.f32 v3, v4;
	v4 =	vand.u32 $0xFFFF0000, v6;
	[tilespmem:s23+$0x8180] =	vst v7  }
0x3b: {  	[tilespmem:s23+$0x8100] =	vst v4  }
0x3c: {  	v4 =	vand.u32 $0xFFFF0000, v5;
	[tilespmem:s23+$0x8200] =	vst v3  }
0x3d: {  	[tilespmem:s23+$0x8080] =	vst v4  }
0x3e: {  	v3 =	vld.idx.msk [tilespmem:v2+s13+$0x0], $0xffff  }
0x3f: {  	v4 =	vld.idx.msk [tilespmem:v2+s22+$0x0], $0xffff  }
0x40: {  	v2 =	vld.idx.msk [tilespmem:v2+s12+$0x0], $0xffff;
	_ =	sdelay $0x3  }
0x41: {  	v5 =	vmul.f32 v3, v3;
	v6 =	vshrl.u32 v3, $0x10;
	v7 =	vmul.f32 v4, v4  }
0x42: {  	v8 =	vmul.f32 v2, v2;
	v9 =	vshrl.u32 v2, $0x10;
	v6 =	vand.u32 $0x1, v6  }
0x43: {  	v10 =	vshrl.u32 v4, $0x10;
	v9 =	vand.u32 $0x1, v9;
	v3 =	vadd.s32 v6, v3  }
0x44: {  	v6 =	vadd.f32 v8, v7;
	v2 =	vadd.s32 v9, v2;
	v3 =	vadd.s32 $0x7FFF, v3  }
0x45: {  	v7 =	vand.u32 $0x1, v10;
	v2 =	vadd.s32 $0x7FFF, v2;
	v3 =	vand.u32 $0xFFFF0000, v3  }
0x46: {  	v4 =	vadd.s32 v7, v4;
	v5 =	vadd.f32 v5, v6;
	v2 =	vand.u32 $0xFFFF0000, v2;
	[tilespmem:s24+$0x8180] =	vst v3  }
0x47: {  	v3 =	vadd.s32 $0x7FFF, v4;
	[tilespmem:s24+$0x8100] =	vst v2  }
0x48: {  	v2 =	vand.u32 $0xFFFF0000, v3;
	[tilespmem:s24+$0x8200] =	vst v5  }
0x49: {  	s23 =	simm.s32 $0x0;
	[tilespmem:s24+$0x8080] =	vst v2  }
0x4a: {  	v3 =	vld [tilespmem:s23+$0x0]  }
0x4b: {  	v6 =	vld [tilespmem:s23+$0x2000]  }
0x4c: {  	v2 =	vld [tilespmem:s23+$0x4000];
	_ =	sdelay $0x2  }
0x4d: {  	v7 =	vld [tilespmem:s23+$0x10];
	v4 =	vmul.f32 v3, v3;
	v8 =	vshrl.u32 v3, $0x10  }
0x4e: {  	v5 =	vmul.f32 v6, v6;
	v10 =	vshrl.u32 v6, $0x10;
	v9 =	vand.u32 $0x1, v8;
	v8 =	vld [tilespmem:s23+$0x2010]  }
0x4f: {  	v11 =	vshrl.u32 v2, $0x10;
	v10 =	vand.u32 $0x1, v10;
	v9 =	vadd.s32 v9, v3;
	v3 =	vld [tilespmem:s23+$0x4010]  }
0x50: {  	v11 =	vand.u32 $0x1, v11;
	v6 =	vadd.s32 v10, v6;
	v10 =	vld [tilespmem:s23+$0x20];
	v9 =	vadd.s32 $0x7FFF, v9  }
0x51: {  	v6 =	vadd.s32 $0x7FFF, v6;
	v17 =	vand.u32 $0xFFFF0000, v9;
	v9 =	vadd.s32 v11, v2  }
0x52: {  	v12 =	vshrl.u32 v7, $0x10;
	v11 =	vld [tilespmem:s23+$0x2020];
	v18 =	vand.u32 $0xFFFF0000, v6;
	v9 =	vadd.s32 $0x7FFF, v9  }
0x53: {  	v6 =	vld [tilespmem:s23+$0x4020];
	v19 =	vand.u32 $0xFFFF0000, v9;
	v9 =	vand.u32 $0x1, v12;
	v12 =	vshrl.u32 v8, $0x10  }
0x54: {  	v9 =	vadd.s32 v9, v7;
	v12 =	vand.u32 $0x1, v12;
	v15 =	vshrl.u32 v3, $0x10  }
0x55: {  	[tilespmem:s23+$0x2000] =	vst v18;
	v18 =	vld [tilespmem:s23+$0x50];
	v22 =	vshrl.u32 v10, $0x10;
	v16 =	vadd.s32 $0x7FFF, v9;
	v12 =	vadd.s32 v12, v8  }
0x56: {  	v15 =	vand.u32 $0x1, v15;
	v22 =	vand.u32 $0x1, v22;
	v20 =	vand.u32 $0xFFFF0000, v16  }
0x57: {  	v13 =	vld [tilespmem:s23+$0x30];
	v12 =	vadd.s32 $0x7FFF, v12;
	v16 =	vadd.s32 v15, v3;
	v24 =	vshrl.u32 v11, $0x10  }
0x58: {  	v9 =	vld [tilespmem:s23+$0x4030];
	v22 =	vadd.s32 v22, v10;
	v25 =	vshrl.u32 v6, $0x10;
	v21 =	vand.u32 $0xFFFF0000, v12  }
0x59: {  	v14 =	vld [tilespmem:s23+$0x2030];
	[tilespmem:s23+$0x0] =	vst v17;
	v12 =	vadd.s32 $0x7FFF, v16;
	v24 =	vand.u32 $0x1, v24;
	v17 =	vadd.s32 $0x7FFF, v22  }
0x5a: {  	v15 =	vld [tilespmem:s23+$0x40];
	v30 =	vshrl.u32 v18, $0x10;
	v22 =	vadd.s32 v24, v11;
	v24 =	vand.u32 $0x1, v25  }
0x5b: {  	v25 =	vand.u32 $0xFFFF0000, v17;
	v17 =	vadd.s32 $0x7FFF, v22;
	v22 =	vadd.s32 v24, v6  }
0x5c: {  	v23 =	vand.u32 $0xFFFF0000, v12;
	v24 =	vand.u32 $0xFFFF0000, v17;
	v17 =	vadd.s32 $0x7FFF, v22  }
0x5d: {  	[tilespmem:s23+$0x4000] =	vst v19;
	v19 =	vld [tilespmem:s23+$0x2050];
	v22 =	vshrl.u32 v13, $0x10;
	v26 =	vshrl.u32 v9, $0x10;
	v27 =	vand.u32 $0xFFFF0000, v17  }
0x5e: {  	v16 =	vld [tilespmem:s23+$0x2040];
	[tilespmem:s23+$0x10] =	vst v20;
	v17 =	vand.u32 $0x1, v22;
	v22 =	vshrl.u32 v14, $0x10;
	v26 =	vand.u32 $0x1, v26  }
0x5f: {  	v12 =	vld [tilespmem:s23+$0x4040];
	[tilespmem:s23+$0x2010] =	vst v21;
	v21 =	vshrl.u32 v15, $0x10;
	v17 =	vadd.s32 v17, v13;
	v22 =	vand.u32 $0x1, v22  }
0x60: {  	[tilespmem:s23+$0x4020] =	vst v27;
	v27 =	vand.u32 $0x1, v30;
	v20 =	vadd.s32 $0x7FFF, v17;
	v22 =	vadd.s32 v22, v14  }
0x61: {  	v28 =	vand.u32 $0xFFFF0000, v20;
	v20 =	vadd.s32 $0x7FFF, v22;
	v22 =	vadd.s32 v26, v9  }
0x62: {  	v30 =	vshrl.u32 v19, $0x10;
	v29 =	vand.u32 $0xFFFF0000, v20;
	v20 =	vadd.s32 $0x7FFF, v22  }
0x63: {  	[tilespmem:s23+$0x4010] =	vst v23;
	v17 =	vld [tilespmem:s23+$0x4050];
	v23 =	vand.u32 $0xFFFF0000, v20;
	v20 =	vand.u32 $0x1, v21;
	v21 =	vshrl.u32 v16, $0x10  }
0x64: {  	[tilespmem:s23+$0x20] =	vst v25;
	v25 =	vshrl.u32 v12, $0x10;
	v20 =	vadd.s32 v20, v15;
	v22 =	vand.u32 $0x1, v21  }
0x65: {  	v25 =	vand.u32 $0x1, v25;
	v20 =	vadd.s32 $0x7FFF, v20;
	v22 =	vadd.s32 v22, v16  }
0x66: {  	p0 =	por $0x1, $0x1;
	[tilespmem:s23+$0x2020] =	vst v24;
	v24 =	vadd.s32 v25, v12;
	v21 =	vld [tilespmem:s23+$0x60];
	v26 =	vand.u32 $0xFFFF0000, v20;
	v20 =	vadd.s32 $0x7FFF, v22  }
.Ltmp1:
0x67: {  	v27 =	vadd.s32 v27, v18;
	v22 =	vld [tilespmem:s23+$0x2060];
	v25 =	vand.u32 $0xFFFF0000, v20;
	v20 =	vadd.s32 $0x7FFF, v24;
	(pc) =	sbr.rel @!p0 .LBB2_5-.Ltmp1, $4  }
0x68: {  	v30 =	vand.u32 $0x1, v30;
	v31 =	vshrl.u32 v17, $0x10;
	v24 =	vand.u32 $0xFFFF0000, v20;
	v20 =	vld [tilespmem:s23+$0x4060]  }
0x69: {  	v27 =	vadd.s32 $0x7FFF, v27;
	[tilespmem:s23+$0x30] =	vst v28;
	v28 =	vadd.s32 v30, v19;
	v30 =	vand.u32 $0x1, v31  }
0x6a: {  	v27 =	vand.u32 $0xFFFF0000, v27;
	[tilespmem:s23+$0x2030] =	vst v29;
	v28 =	vadd.s32 $0x7FFF, v28;
	v29 =	vadd.s32 v30, v17  }
0x6b: {  	s24 =	simm.s32 $0x200;
	[tilespmem:s23+$0x4030] =	vst v23;
	v28 =	vand.u32 $0xFFFF0000, v28;
	v23 =	vld [tilespmem:s23+$0x70];
	v29 =	vadd.s32 $0x7FFF, v29;
	v30 =	vshrl.u32 v21, $0x10  }
.LBB2_4:
0x6c: {  	p0 =	sne.s32 s24, $0x7E00;
	[tilespmem:s23+$0x40] =	vst v26;
	v26 =	vand.u32 $0xFFFF0000, v29;
	v29 =	vand.u32 $0x1, v30;
	v30 =	vshrl.u32 v22, $0x10;
	v31 =	vld [tilespmem:s23+$0x2070]  }
0x6d: {  	[tilespmem:s23+$0x2040] =	vst v25;
	v25 =	vadd.s32 v29, v21;
	v29 =	vand.u32 $0x1, v30;
	v30 =	vshrl.u32 v20, $0x10;
	v32 =	vld [tilespmem:s23+$0x4070]  }
0x6e: {  	[tilespmem:s23+$0x4040] =	vst v24;
	v24 =	vadd.s32 $0x7FFF, v25;
	v25 =	vadd.s32 v29, v22;
	v29 =	vand.u32 $0x1, v30  }
0x6f: {  	[tilespmem:s23+$0x50] =	vst v27;
	v24 =	vand.u32 $0xFFFF0000, v24;
	v25 =	vadd.s32 $0x7FFF, v25;
	v27 =	vadd.s32 v29, v20  }
0x70: {  	[tilespmem:s23+$0x2050] =	vst v28;
	v25 =	vand.u32 $0xFFFF0000, v25;
	v27 =	vadd.s32 $0x7FFF, v27;
	v28 =	vshrl.u32 v23, $0x10  }
0x71: {  	[tilespmem:s23+$0x4050] =	vst v26;
	v26 =	vand.u32 $0xFFFF0000, v27;
	v27 =	vand.u32 $0x1, v28;
	v28 =	vshrl.u32 v31, $0x10  }
0x72: {  	[tilespmem:s23+$0x60] =	vst v24;
	v24 =	vadd.s32 v27, v23;
	v27 =	vand.u32 $0x1, v28;
	v28 =	vshrl.u32 v32, $0x10  }
0x73: {  	[tilespmem:s23+$0x2060] =	vst v25;
	v24 =	vadd.s32 $0x7FFF, v24;
	v25 =	vadd.s32 v27, v31;
	v27 =	vand.u32 $0x1, v28  }
0x74: {  	[tilespmem:s23+$0x4060] =	vst v26;
	v24 =	vand.u32 $0xFFFF0000, v24;
	v25 =	vadd.s32 $0x7FFF, v25;
	v26 =	vadd.s32 v27, v32  }
0x75: {  	v7 =	vmul.f32 v7, v7;
	[tilespmem:s23+$0x70] =	vst v24;
	v24 =	vand.u32 $0xFFFF0000, v25;
	v25 =	vadd.s32 $0x7FFF, v26  }
0x76: {  	v8 =	vmul.f32 v8, v8;
	v10 =	vmul.f32 v10, v10;
	[tilespmem:s23+$0x2070] =	vst v24;
	v24 =	vand.u32 $0xFFFF0000, v25  }
0x77: {  	v4 =	vadd.f32 v5, v4;
	v5 =	vmul.f32 v11, v11;
	v11 =	vmul.f32 v13, v13;
	[tilespmem:s23+$0x4070] =	vst v24  }
0x78: {  	v13 =	vmul.f32 v15, v15;
	v7 =	vadd.f32 v8, v7;
	v8 =	vmul.f32 v14, v14  }
0x79: {  	v5 =	vadd.f32 v5, v10;
	v10 =	vmul.f32 v16, v16;
	v14 =	vmul.f32 v18, v18  }
0x7a: {  	v15 =	vmul.f32 v21, v21;
	v8 =	vadd.f32 v8, v11;
	v11 =	vmul.f32 v19, v19  }
0x7b: {  	v10 =	vadd.f32 v10, v13;
	v13 =	vmul.f32 v22, v22;
	v16 =	vmul.f32 v23, v23  }
0x7c: {  	v2 =	vmul.f32 v2, v2;
	v11 =	vadd.f32 v11, v14;
	v14 =	vmul.f32 v31, v31  }
0x7d: {  	s25 =	sshra.s32 s24, $0x2;
	v3 =	vmul.f32 v3, v3;
	v6 =	vmul.f32 v6, v6;
	v13 =	vadd.f32 v13, v15  }
0x7e: {  	v9 =	vmul.f32 v9, v9;
	v12 =	vmul.f32 v12, v12;
	v14 =	vadd.f32 v14, v16;
	v15 =	vld [tilespmem:s25+$0x0]  }
0x7f: {  	v17 =	vmul.f32 v17, v17;
	v4 =	vadd.f32 v2, v4;
	v18 =	vmul.f32 v20, v20;
	v16 =	vld [tilespmem:s25+$0x2000]  }
0x80: {  	v3 =	vadd.f32 v3, v7;
	v5 =	vadd.f32 v6, v5;
	v6 =	vmul.f32 v32, v32;
	v2 =	vld [tilespmem:s25+$0x4000]  }
0x81: {  	v9 =	vadd.f32 v9, v8;
	v10 =	vadd.f32 v12, v10;
	[tilespmem:s23+$0x6000] =	vst v4  }
0x82: {  	v11 =	vadd.f32 v17, v11;
	v12 =	vadd.f32 v18, v13;
	[tilespmem:s23+$0x6010] =	vst v3  }
0x83: {  	v6 =	vadd.f32 v6, v14;
	v4 =	vmul.f32 v15, v15;
	v3 =	vshrl.u32 v15, $0x10;
	v7 =	vld [tilespmem:s25+$0x10];
	[tilespmem:s23+$0x6020] =	vst v5  }
0x84: {  	v5 =	vmul.f32 v16, v16;
	v3 =	vand.u32 $0x1, v3;
	v13 =	vshrl.u32 v16, $0x10;
	v8 =	vld [tilespmem:s25+$0x2010];
	[tilespmem:s23+$0x6030] =	vst v9  }
0x85: {  	v9 =	vadd.s32 v3, v15;
	v13 =	vand.u32 $0x1, v13;
	v14 =	vshrl.u32 v2, $0x10;
	v3 =	vld [tilespmem:s25+$0x4010];
	[tilespmem:s23+$0x6040] =	vst v10  }
0x86: {  	v9 =	vadd.s32 $0x7FFF, v9;
	v10 =	vadd.s32 v13, v16;
	v13 =	vand.u32 $0x1, v14;
	[tilespmem:s23+$0x6050] =	vst v11  }
0x87: {  	v17 =	vand.u32 $0xFFFF0000, v9;
	v9 =	vadd.s32 $0x7FFF, v10;
	v10 =	vadd.s32 v13, v2;
	[tilespmem:s23+$0x6060] =	vst v12  }
0x88: {  	v18 =	vand.u32 $0xFFFF0000, v9;
	v9 =	vadd.s32 $0x7FFF, v10;
	v11 =	vshrl.u32 v7, $0x10;
	v10 =	vld [tilespmem:s25+$0x20];
	[tilespmem:s23+$0x6070] =	vst v6;
	s23 =	smov.u32 s25  }
0x89: {  	v19 =	vand.u32 $0xFFFF0000, v9;
	v6 =	vand.u32 $0x1, v11;
	v9 =	vshrl.u32 v8, $0x10;
	v11 =	vld [tilespmem:s23+$0x2020]  }
0x8a: {  	v12 =	vadd.s32 v6, v7;
	v9 =	vand.u32 $0x1, v9;
	v13 =	vshrl.u32 v3, $0x10;
	v6 =	vld [tilespmem:s23+$0x4020]  }
0x8b: {  	v12 =	vadd.s32 $0x7FFF, v12;
	v9 =	vadd.s32 v9, v8;
	v13 =	vand.u32 $0x1, v13  }
0x8c: {  	v20 =	vand.u32 $0xFFFF0000, v12;
	v9 =	vadd.s32 $0x7FFF, v9;
	v12 =	vadd.s32 v13, v3  }
0x8d: {  	v21 =	vand.u32 $0xFFFF0000, v9;
	v9 =	vadd.s32 $0x7FFF, v12;
	v12 =	vshrl.u32 v10, $0x10;
	v13 =	vld [tilespmem:s23+$0x30]  }
0x8e: {  	v22 =	vand.u32 $0xFFFF0000, v9;
	v9 =	vand.u32 $0x1, v12;
	v12 =	vshrl.u32 v11, $0x10;
	v14 =	vld [tilespmem:s23+$0x2030]  }
0x8f: {  	v15 =	vadd.s32 v9, v10;
	v12 =	vand.u32 $0x1, v12;
	v16 =	vshrl.u32 v6, $0x10;
	v9 =	vld [tilespmem:s23+$0x4030]  }
0x90: {  	v15 =	vadd.s32 $0x7FFF, v15;
	v12 =	vadd.s32 v12, v11;
	v16 =	vand.u32 $0x1, v16  }
0x91: {  	v23 =	vand.u32 $0xFFFF0000, v15;
	v12 =	vadd.s32 $0x7FFF, v12;
	v15 =	vadd.s32 v16, v6  }
0x92: {  	v24 =	vand.u32 $0xFFFF0000, v12;
	v12 =	vadd.s32 $0x7FFF, v15;
	v16 =	vshrl.u32 v13, $0x10;
	v15 =	vld [tilespmem:s23+$0x40]  }
0x93: {  	v27 =	vand.u32 $0xFFFF0000, v12;
	v12 =	vand.u32 $0x1, v16;
	v25 =	vshrl.u32 v14, $0x10;
	v16 =	vld [tilespmem:s23+$0x2040]  }
0x94: {  	v26 =	vadd.s32 v12, v13;
	v25 =	vand.u32 $0x1, v25;
	v28 =	vshrl.u32 v9, $0x10;
	v12 =	vld [tilespmem:s23+$0x4040]  }
0x95: {  	v26 =	vadd.s32 $0x7FFF, v26;
	v25 =	vadd.s32 v25, v14;
	v28 =	vand.u32 $0x1, v28  }
0x96: {  	[tilespmem:s23+$0x0] =	vst v17;
	v29 =	vand.u32 $0xFFFF0000, v26;
	v17 =	vadd.s32 $0x7FFF, v25;
	v25 =	vadd.s32 v28, v9  }
0x97: {  	[tilespmem:s23+$0x2000] =	vst v18;
	v28 =	vand.u32 $0xFFFF0000, v17;
	v17 =	vadd.s32 $0x7FFF, v25;
	v25 =	vshrl.u32 v15, $0x10;
	v18 =	vld [tilespmem:s23+$0x50]  }
0x98: {  	[tilespmem:s23+$0x4000] =	vst v19;
	v30 =	vand.u32 $0xFFFF0000, v17;
	v17 =	vand.u32 $0x1, v25;
	v25 =	vshrl.u32 v16, $0x10;
	v19 =	vld [tilespmem:s23+$0x2050]  }
0x99: {  	[tilespmem:s23+$0x10] =	vst v20;
	v20 =	vadd.s32 v17, v15;
	v25 =	vand.u32 $0x1, v25;
	v26 =	vshrl.u32 v12, $0x10;
	v17 =	vld [tilespmem:s23+$0x4050]  }
0x9a: {  	[tilespmem:s23+$0x2010] =	vst v21;
	v20 =	vadd.s32 $0x7FFF, v20;
	v21 =	vadd.s32 v25, v16;
	v25 =	vand.u32 $0x1, v26  }
0x9b: {  	[tilespmem:s23+$0x4010] =	vst v22;
	v26 =	vand.u32 $0xFFFF0000, v20;
	v20 =	vadd.s32 $0x7FFF, v21;
	v21 =	vadd.s32 v25, v12  }
0x9c: {  	[tilespmem:s23+$0x20] =	vst v23;
	v25 =	vand.u32 $0xFFFF0000, v20;
	v20 =	vadd.s32 $0x7FFF, v21;
	v22 =	vshrl.u32 v18, $0x10;
	v21 =	vld [tilespmem:s23+$0x60]  }
.Ltmp2:
0x9d: {  	[tilespmem:s23+$0x2020] =	vst v24;
	v24 =	vand.u32 $0xFFFF0000, v20;
	v20 =	vand.u32 $0x1, v22;
	v23 =	vshrl.u32 v19, $0x10;
	v22 =	vld [tilespmem:s23+$0x2060];
	(pc) =	sbr.rel @p0 .LBB2_4-.Ltmp2, $4  }
0x9e: {  	[tilespmem:s23+$0x4020] =	vst v27;
	v27 =	vadd.s32 v20, v18;
	v23 =	vand.u32 $0x1, v23;
	v31 =	vshrl.u32 v17, $0x10;
	v20 =	vld [tilespmem:s23+$0x4060]  }
0x9f: {  	[tilespmem:s23+$0x30] =	vst v29;
	v27 =	vadd.s32 $0x7FFF, v27;
	v23 =	vadd.s32 v23, v19;
	v29 =	vand.u32 $0x1, v31  }
0xa0: {  	[tilespmem:s23+$0x2030] =	vst v28;
	v27 =	vand.u32 $0xFFFF0000, v27;
	v23 =	vadd.s32 $0x7FFF, v23;
	v29 =	vadd.s32 v29, v17  }
0xa1: {  	s24 =	sadd.s32 $0x200, s24;
	[tilespmem:s23+$0x4030] =	vst v30;
	v28 =	vand.u32 $0xFFFF0000, v23;
	v29 =	vadd.s32 $0x7FFF, v29;
	v30 =	vshrl.u32 v21, $0x10;
	v23 =	vld [tilespmem:s23+$0x70]  }
.LBB2_5:
0xa2: {  	v7 =	vmul.f32 v7, v7;
	v8 =	vmul.f32 v8, v8  }
0xa3: {  	v10 =	vmul.f32 v10, v10;
	v48 =	vmul.f32 v11, v11  }
0xa4: {  	v49 =	vmul.f32 v13, v13;
	v50 =	vmul.f32 v14, v14  }
0xa5: {  	v51 =	vmul.f32 v15, v15;
	v52 =	vmul.f32 v16, v16  }
0xa6: {  	v29 =	vand.u32 $0xFFFF0000, v29;
	v53 =	vmul.f32 v18, v18;
	v54 =	vmul.f32 v19, v19  }
0xa7: {  	v30 =	vand.u32 $0x1, v30;
	v2 =	vmul.f32 v2, v2;
	v55 =	vmul.f32 v21, v21  }
0xa8: {  	v31 =	vshrl.u32 v22, $0x10;
	v3 =	vmul.f32 v3, v3;
	v56 =	vmul.f32 v22, v22  }
0xa9: {  	[tilespmem:s23+$0x40] =	vst v26;
	v4 =	vadd.f32 v5, v4;
	v6 =	vmul.f32 v6, v6;
	v9 =	vmul.f32 v9, v9  }
0xaa: {  	[tilespmem:s23+$0x2040] =	vst v25;
	v59 =	vmul.f32 v12, v12;
	v60 =	vmul.f32 v17, v17;
	v39 =	vadd.s32 v30, v21  }
0xab: {  	[tilespmem:s23+$0x4040] =	vst v24;
	v40 =	vand.u32 $0x1, v31;
	v41 =	vshrl.u32 v20, $0x10;
	v61 =	vmul.f32 v20, v20  }
0xac: {  	[tilespmem:s23+$0x50] =	vst v27;
	v25 =	vadd.s32 $0x7FFF, v39;
	v30 =	vadd.s32 v40, v22;
	v7 =	vadd.f32 v8, v7  }
0xad: {  	[tilespmem:s23+$0x2050] =	vst v28;
	v31 =	vand.u32 $0x1, v41;
	v5 =	vadd.f32 v48, v10;
	v8 =	vadd.f32 v50, v49  }
0xae: {  	v38 =	vld [tilespmem:s23+$0x2070];
	[tilespmem:s23+$0x4050] =	vst v29;
	v10 =	vadd.f32 v52, v51;
	v2 =	vadd.f32 v2, v4;
	v25 =	vand.u32 $0xFFFF0000, v25  }
0xaf: {  	v32 =	vld [tilespmem:s23+$0x4070];
	v58 =	vadd.f32 v54, v53;
	v30 =	vadd.s32 $0x7FFF, v30;
	v31 =	vadd.s32 v31, v20;
	[tilespmem:s23+$0x60] =	vst v25  }
0xb0: {  	v30 =	vand.u32 $0xFFFF0000, v30;
	v31 =	vadd.s32 $0x7FFF, v31;
	v33 =	vshrl.u32 v23, $0x10;
	[tilespmem:s23+$0x6000] =	vst v2  }
0xb1: {  	v3 =	vadd.f32 v3, v7;
	v5 =	vadd.f32 v6, v5;
	v31 =	vand.u32 $0xFFFF0000, v31;
	[tilespmem:s23+$0x2060] =	vst v30  }
0xb2: {  	v57 =	vmul.f32 v23, v23;
	v8 =	vadd.f32 v9, v8;
	v10 =	vadd.f32 v59, v10;
	[tilespmem:s23+$0x4060] =	vst v31  }
0xb3: {  	v63 =	vadd.f32 v60, v58;
	v33 =	vand.u32 $0x1, v33;
	v34 =	vshrl.u32 v38, $0x10;
	[tilespmem:s23+$0x6010] =	vst v3  }
0xb4: {  	v35 =	vshrl.u32 v32, $0x10;
	v2 =	vmul.f32 v38, v38;
	v62 =	vmul.f32 v32, v32;
	[tilespmem:s23+$0x6020] =	vst v5  }
0xb5: {  	v33 =	vadd.s32 v33, v23;
	v34 =	vand.u32 $0x1, v34;
	v35 =	vand.u32 $0x1, v35;
	[tilespmem:s23+$0x6030] =	vst v8  }
0xb6: {  	v3 =	vadd.f32 v56, v55;
	[tilespmem:s23+$0x6040] =	vst v10;
	v33 =	vadd.s32 $0x7FFF, v33;
	v34 =	vadd.s32 v34, v38  }
0xb7: {  	[tilespmem:s23+$0x6050] =	vst v63;
	v44 =	vadd.s32 v35, v32;
	v42 =	vand.u32 $0xFFFF0000, v33;
	v43 =	vadd.s32 $0x7FFF, v34  }
0xb8: {  	v2 =	vadd.f32 v2, v57;
	v46 =	vadd.s32 $0x7FFF, v44;
	v45 =	vand.u32 $0xFFFF0000, v43;
	[tilespmem:s23+$0x70] =	vst v42  }
0xb9: {  	v3 =	vadd.f32 v61, v3;
	v47 =	vand.u32 $0xFFFF0000, v46;
	[tilespmem:s23+$0x2070] =	vst v45  }
0xba: {  	v2 =	vadd.f32 v62, v2;
	[tilespmem:s23+$0x4070] =	vst v47  }
0xbb: {  	[tilespmem:s23+$0x6060] =	vst v3  }
0xbc: {  	[tilespmem:s23+$0x6070] =	vst v2  }
.LBB2_6:
0xbd: {  	v5 =	vmov s22;
	_ =	sdelay $0x4  }
0xbe: {  	v2 =	vld.idx.msk [tilespmem:v5+s15+$0x0], $0xffff  }
0xbf: {  	v3 =	vld.idx.msk [tilespmem:v5+s16+$0x0], $0xffff  }
0xc0: {  	v4 =	vld.idx.msk [tilespmem:v5+s17+$0x0], $0xffff;
	_ =	sdelay $0x3  }
0xc1: {  	s29 =	simm.s32 $0x0;
	s23 =	simm.s32 $0x6040;
	s24 =	simm.s32 $0x4040;
	v2 =	vadd.f32 v2, v2  }
0xc2: {  	s25 =	simm.s32 $0x2040;
	s26 =	simm.s32 $0x40;
	s28 =	simm.s32 $0x0;
	v5 =	vld.idx.msk [tilespmem:v5+s18+$0x0], $0xffff;
	v3 =	vadd.f32 v3, v3;
	v4 =	vadd.f32 v4, v4  }
.LBB2_7:
0xc3: {  	v6 =	vld [tilespmem:s26+$0xFFFFFFC0]  }
0xc4: {  	v7 =	vld [tilespmem:s25+$0xFFFFFFC0]  }
0xc5: {  	v8 =	vld [tilespmem:s24+$0xFFFFFFC0]  }
0xc6: {  	v9 =	vld [tilespmem:s23+$0xFFFFFFC0]  }
0xc7: {  	v10 =	vld [tilespmem:s26+$0xFFFFFFD0]  }
0xc8: {  	v11 =	vld [tilespmem:s25+$0xFFFFFFD0]  }
0xc9: {  	v12 =	vld [tilespmem:s24+$0xFFFFFFD0]  }
0xca: {  	v13 =	vld [tilespmem:s23+$0xFFFFFFD0]  }
0xcb: {  	v14 =	vld [tilespmem:s26+$0xFFFFFFE0]  }
0xcc: {  	v15 =	vld [tilespmem:s25+$0xFFFFFFE0]  }
0xcd: {  	v16 =	vld [tilespmem:s24+$0xFFFFFFE0]  }
0xce: {  	v17 =	vld [tilespmem:s23+$0xFFFFFFE0]  }
0xcf: {  	v18 =	vld [tilespmem:s26+$0xFFFFFFF0]  }
0xd0: {  	v19 =	vld [tilespmem:s25+$0xFFFFFFF0]  }
0xd1: {  	v20 =	vld [tilespmem:s24+$0xFFFFFFF0]  }
0xd2: {  	v21 =	vld [tilespmem:s23+$0xFFFFFFF0]  }
0xd3: {  	v22 =	vld [tilespmem:s26+$0x0]  }
0xd4: {  	v28 =	vld [tilespmem:s25+$0x0]  }
0xd5: {  	v30 =	vld [tilespmem:s24+$0x0]  }
0xd6: {  	v31 =	vld [tilespmem:s23+$0x0];
	v6 =	vmul.f32 v6, v2;
	v7 =	vmul.f32 v7, v3  }
0xd7: {  	v34 =	vld [tilespmem:s26+$0x10];
	v10 =	vmul.f32 v10, v2;
	v11 =	vmul.f32 v11, v3  }
0xd8: {  	v23 =	vld [tilespmem:s25+$0x10];
	v29 =	vmul.f32 v12, v4;
	v32 =	vmul.f32 v14, v2  }
0xd9: {  	v36 =	vld [tilespmem:s24+$0x10];
	v33 =	vmul.f32 v15, v3;
	v18 =	vmul.f32 v18, v2  }
0xda: {  	v39 =	vld [tilespmem:s23+$0x10];
	v19 =	vmul.f32 v19, v3;
	v6 =	vadd.f32 v7, v6;
	v7 =	vmul.f32 v8, v4  }
0xdb: {  	v40 =	vld [tilespmem:s26+$0x20];
	v13 =	vadd.f32 v13, v5;
	v35 =	vmul.f32 v16, v4;
	v38 =	vmul.f32 v20, v4  }
0xdc: {  	v53 =	vld [tilespmem:s23+$0x20];
	v41 =	vmul.f32 v22, v2;
	v6 =	vadd.f32 v7, v6;
	v7 =	vadd.f32 v9, v5  }
0xdd: {  	v42 =	vld [tilespmem:s25+$0x20];
	v43 =	vadd.f32 v21, v5;
	v15 =	vmul.f32 v34, v2;
	v44 =	vmul.f32 v23, v3  }
0xde: {  	v55 =	vld [tilespmem:s23+$0x30];
	v46 =	vmul.f32 v30, v4;
	v6 =	vsub.f32 v7, v6;
	v7 =	vadd.f32 v33, v32  }
0xdf: {  	v49 =	vadd.f32 v31, v5;
	v51 =	vadd.f32 v39, v5;
	v8 =	vmul.f32 v28, v3  }
0xe0: {  	v45 =	vld [tilespmem:s26+$0x30];
	vm0 =	vle.f32 v6, $3.999999910e-02;
	v6 =	vadd.f32 v35, v7;
	v7 =	vadd.f32 v17, v5  }
0xe1: {  	v48 =	vld [tilespmem:s24+$0x20];
	v14 =	vmul.f32 v36, v4;
	v60 =	vadd.f32 v53, v5;
	v10 =	vadd.f32 v11, v10  }
0xe2: {  	v47 =	vld [tilespmem:s25+$0x30];
	v52 =	vmul.f32 v42, v3;
	v6 =	vsub.f32 v7, v6;
	v7 =	vadd.f32 v8, v41  }
0xe3: {  	v61 =	vadd.f32 v55, v5;
	v15 =	vadd.f32 v44, v15;
	v11 =	vmul.f32 v40, v2  }
0xe4: {  	v10 =	vadd.f32 v29, v10;
	vm2 =	vle.f32 v6, $3.999999910e-02;
	v6 =	vadd.f32 v46, v7;
	v7 =	vld [tilespmem:s24+$0x30]  }
0xe5: {  	v54 =	vmul.f32 v45, v2;
	v37 =	vadd.f32 v19, v18;
	v50 =	vadd.f32 v14, v15  }
0xe6: {  	v57 =	vmul.f32 v48, v4;
	v56 =	vadd.f32 v52, v11;
	v10 =	vsub.f32 v13, v10  }
0xe7: {  	v12 =	vmul.f32 v47, v3;
	v13 =	vadd.f32 v38, v37;
	v6 =	vsub.f32 v49, v6  }
0xe8: {  	v9 =	vsub.f32 v51, v50;
	v58 =	vadd.f32 v57, v56  }
0xe9: {  	vm5 =	vle.f32 v6, $3.999999910e-02;
	v6 =	vadd.f32 v12, v54;
	v7 =	vmul.f32 v7, v4  }
0xea: {  	v13 =	vsub.f32 v43, v13;
	vm3 =	vle.f32 v10, $3.999999910e-02;
	v59 =	vmpcnt.ones.xlane vm0  }
0xeb: {  	vm4 =	vle.f32 v9, $3.999999910e-02;
	v6 =	vadd.f32 v7, v6;
	v7 =	vmpcnt.ones.xlane vm3  }
0xec: {  	vm1 =	vle.f32 v13, $3.999999910e-02;
	(v2sf) =	vpush v59, $0x0;
	v62 =	vmpcnt.ones.xlane vm2  }
0xed: {  	v8 =	vsub.f32 v60, v58;
	(v2sf) =	vpush v7, $0x0;
	v7 =	vmpcnt.ones.xlane vm1  }
0xee: {  	v63 =	vmpcnt.ones.xlane vm5;
	v6 =	vsub.f32 v61, v6;
	(v2sf) =	vpush v62, $0x0  }
0xef: {  	vm7 =	vle.f32 v8, $3.999999910e-02;
	(v2sf) =	vpush v7, $0x0;
	v7 =	vmpcnt.ones.xlane vm4  }
0xf0: {  	vm6 =	vle.f32 v6, $3.999999910e-02;
	v6 =	vmpcnt.ones.xlane vm7;
	(v2sf) =	vpush v63, $0x0  }
0xf1: {  	(v2sf) =	vpush v7, $0x0;
	v7 =	vmpcnt.ones.xlane vm6  }
0xf2: {  	(v2sf) =	vpush v6, $0x0  }
0xf3: {  	(v2sf) =	vpush v7, $0x0;
	_ =	sdelay $0x7  }
0xf4: {  	s30 =	spop (v2sf)  }
0xf5: {  	s30 =	sadd.s32 s29, s30;
	s31 =	spop (v2sf)  }
0xf6: {  	s0 =	spop (v2sf);
	s31 =	sadd.s32 s31, s30  }
0xf7: {  	s14 =	sadd.s32 $0x10, s28;
	v6 =	vor.u32 s28, v0;
	s1 =	spop (v2sf);
	s0 =	sadd.s32 s0, s31  }
0xf8: {  	[tilespmem:s29+$0x8280] =	vst.msk vm0, v6;
	v6 =	vor.u32 s14, v0;
	s14 =	sadd.s32 $0x20, s28;
	s20 =	spop (v2sf);
	s1 =	sadd.s32 s1, s0  }
0xf9: {  	[tilespmem:s30+$0x8280] =	vst.msk vm3, v6;
	v6 =	vor.u32 s14, v0;
	s14 =	sadd.s32 $0x30, s28;
	s29 =	spop (v2sf);
	s20 =	sadd.s32 s20, s1  }
0xfa: {  	[tilespmem:s31+$0x8280] =	vst.msk vm2, v6;
	v6 =	vor.u32 s14, v0;
	s14 =	sadd.s32 $0x40, s28;
	s30 =	spop (v2sf);
	s31 =	sadd.s32 s29, s20  }
0xfb: {  	[tilespmem:s0+$0x8280] =	vst.msk vm1, v6;
	v6 =	vor.u32 s14, v0;
	s29 =	spop (v2sf);
	s14 =	sadd.s32 s30, s31  }
0xfc: {  	p0 =	sgt.u32 s28, $0x1F7F;
	s29 =	sadd.s32 s29, s14  }
0xfd: {  	p1 =	slt.s32 @!p0 s29, $0x20  }
0xfe: {  	p0 =	por p0, !p1  }
.Ltmp3:
0xff: {  	s0 =	sadd.s32 $0x50, s28;
	(pc) =	sbr.rel @!p0 .LBB2_7-.Ltmp3, $4  }
0x100: {  	[tilespmem:s1+$0x8280] =	vst.msk vm5, v6;
	v6 =	vor.u32 s0, v0;
	s1 =	sadd.s32 $0x60, s28  }
0x101: {  	[tilespmem:s20+$0x8280] =	vst.msk vm4, v6;
	v6 =	vor.u32 s1, v0;
	s30 =	sadd.s32 $0x70, s28  }
0x102: {  	s23 =	sadd.s32 $0x80, s23;
	s25 =	sadd.s32 $0x80, s25;
	[tilespmem:s31+$0x8280] =	vst.msk vm7, v6;
	v6 =	vor.u32 s30, v0  }
0x103: {  	s26 =	sadd.s32 $0x80, s26;
	s24 =	sadd.s32 $0x80, s24;
	s28 =	sadd.s32 $0x80, s28;
	[tilespmem:s14+$0x8280] =	vst.msk vm6, v6  }
0x104: {  	v2 =	vld.msk [tilespmem:s19+$0x0], $0xffff  }
0x105: {  	v3 =	vld [tilespmem:$0x8280];
	_ =	sdelay $0x2  }
0x106: {  	v4 =	vmov s29  }
0x107: {  	s0 =	sshll.u32 s22, $0x5;
	vm0 =	vgt.s32 v4, v0  }
0x108: {  	s0 =	sand.u32 $0x3FFFFFE0, s0;
	v3 =	vsel vm0, v3, v2  }
0x109: {  	[tilespmem:s0+$0x8380] =	vst v3  }
0x10a: {  	s22 =	sadd.s32 $0x1, s22;
	v3 =	vld [tilespmem:$0x8290]  }
0x10b: {  	p0 =	sne.s32 s22, $0x80  }
.Ltmp4:
0x10c: {  	_ = 	snop;
	(pc) =	sbr.rel @p0 .LBB2_6-.Ltmp4, $4  }
0x10d: {  	_ = 	snop  }
0x10e: {  	vm15 =	vgt.s32 v4, v1  }
0x10f: {  	v2 =	vsel vm15, v3, v2  }
0x110: {  	[tilespmem:s0+$0x8390] =	vst v2  }
0x111: {  	s21 =	sadd.s32 $0x1, s21  }
0x112: {  	p0 =	sne.s32 s21, s8  }
.Ltmp5:
0x113: {  	s0 =	simm.s32 $0x8380;
	(pc) =	sbr.rel @p0 .LBB2_1-.Ltmp5, $4  }
0x114: {  	[hbm4b:s7+s9] =	stream.strided.scatter [tilespmem:s0], [sflag:$0x1], $0x1000, s10, s9, $0x38;
	[tilespmem:$0x9380] =	vst v63  }
0x115: {  	_ =	swait.ge [sflag:s11], $0x1000  }
0x116: {  	[sflag:s11] =	ssyncset.done $0x0  }
0x117: {  	[sflag:s11] =	ssyncadd.s32 $0xFFFFF000  }
0x118: {  	_ =	sfence.sel $0x180000  }
0x119: {  	[bflag:$0x0] =	sbarrier.arrive $0xFFFF  }
0x11a: {  	_ =	strace $0x90000047  }
0x11b: {  	s0 =	stileid.u32;
	[bflag:$0x2] =	sbarrier.arrive $0xFFFF  }
0x11c: {  	p0 =	sne.s32 s0, $0x0;
	s0 =	rddreg [dreg:$0x3]  }
0x11d: {  	s0 =	sadd.s32 @!p0 $0x100000, s0  }
0x11e: {  	[sflag:s0] =	ssyncadd.tile.s32 @!p0 $0x1;
	_ =	shalt  }
.Lfunc_end2:
_tile_overlayer_lowered:
.L_overlay_start_2:
0x11f: {  	(tag) =	ssettag $0x2  }
0x120: {  	s0 =	rddreg [dreg:$0x0];
	s2 =	stileid.u32  }
0x121: {  	s1 =	rddreg [dreg:$0x1];
	p0 =	sne.s32 s2, $0x0  }
0x122: {  	s3 =	rddreg [dreg:$0x2];
	[bflag:$0x3] =	sbarrier.arrive $0xFFFF;
	s2 =	simm.s32 @!p0 $0x1C01  }
0x123: {  	[timem:s3], [sflag:s2] =	dma.local @!p0 [hbm:s0], s1  }
0x124: {  	s0 =	simm.s32 @!p0 $0x1  }
0x125: {  	_ =	swait.ge @!p0 [sflag:s0], s1  }
0x126: {  	s1 =	ssub.s32 @!p0 $0x0, s1;
	[sflag:s0] =	ssyncset.done @!p0 $0x0  }
0x127: {  	[sflag:s0] =	ssyncadd.s32 @!p0 s1  }
0x128: {  	[bflag:$0x3] =	sbarrier.arrive $0xFFFF  }
0x129: {  	_ =	shalt  }

</sc_bundles>
